<compile_context>
chip_gen: v7x
topology: tpu7x:2x2x1
jax: 0.10.2.dev20260603
libtpu: 0.0.44.dev20260713+nightly
codegen_flags: <defaults>
</compile_context>

<pallas_src>
import functools

import jax
import jax.numpy as jnp
from jax import lax
from jax.experimental import pallas as pl
from jax.experimental.pallas import tpu as pltpu
from jax.experimental.pallas import tpu_sc as plsc

A = 10000
NBH = 32
NF = 128
NE = A * NBH
_LOG2 = 0.6931471805599453

_NC = 2
_NS = 16
_NW = _NC * _NS

_IDX_ROWS = 2560
_ROWS_PER_W = _IDX_ROWS // _NW
_NE_PAD = _IDX_ROWS * 128

_T = 80
_EB = _T * NBH
_GRID_C = A // _T


def _facts_body(x_ref, w_ref, b_ref, o_ref):
    o_ref[...] = (
        jnp.dot(x_ref[...], w_ref[...], preferred_element_type=jnp.float32)
        + b_ref[...]
    )


_NBUF = 4


def _gather_body(idx_hbm, table_hbm, out_hbm, idx_v, rows_v, gsem, osem):
    wid = lax.axis_index("s") * _NC + (1 - lax.axis_index("c"))
    base = wid * _ROWS_PER_W
    pltpu.sync_copy(idx_hbm.at[pl.ds(base, _ROWS_PER_W)], idx_v)

    def gath(j, b):
        pltpu.async_copy(table_hbm.at[idx_v.at[j]], rows_v.at[b], gsem.at[b])

    def wait_gath(b):
        pltpu.make_async_copy(
            table_hbm.at[pl.ds(0, 128)], rows_v.at[b], gsem.at[b]).wait()

    def put_start(j, b):
        pltpu.make_async_copy(
            rows_v.at[b], out_hbm.at[pl.ds((base + j) * 128, 128)],
            osem.at[b]).start()

    def put_wait(b):
        pltpu.make_async_copy(
            rows_v.at[b], out_hbm.at[pl.ds(base * 128, 128)],
            osem.at[b]).wait()

    for b in range(_NBUF):
        gath(b, b)

    def body(jj, carry):
        for b in range(_NBUF):
            j = jj * _NBUF + b
            wait_gath(b)
            put_start(j, b)
        for b in range(_NBUF):
            j = jj * _NBUF + b
            put_wait(b)
            gath(j + _NBUF, b)
        return carry

    lax.fori_loop(0, _ROWS_PER_W // _NBUF - 1, body, 0)
    for b in range(_NBUF):
        j = _ROWS_PER_W - _NBUF + b
        wait_gath(b)
        put_start(j, b)
    for b in range(_NBUF):
        put_wait(b)


def _fused_body(r_ref, facts_ref, xj_ref, em_ref, s_ref,
                w1_ref, b1_ref, w2_ref, b2_ref, w3_ref, b3_ref, o_ref):
    rr = jnp.dot(em_ref[...], r_ref[...], preferred_element_type=jnp.float32)
    rb = jnp.dot(rr * s_ref[...], jnp.ones((NBH, NF), jnp.float32),
                 preferred_element_type=jnp.float32)
    h = jax.nn.softplus(rb * w1_ref[...] + b1_ref[...]) - _LOG2
    wf = jnp.dot(h, w2_ref[...], preferred_element_type=jnp.float32) + b2_ref[...]
    xi = jnp.broadcast_to(facts_ref[...][:, None, :], (_T, NBH, NF))
    xi = xi.reshape(_EB, NF)
    y = xi * wf * xj_ref[...]
    o_ref[...] = (
        jnp.dot(y, w3_ref[...], preferred_element_type=jnp.float32)
        + b3_ref[...]
    )


def _facts_call(x2d, w_t, b_row):
    blk = 400
    return pl.pallas_call(
        _facts_body,
        grid=(A // blk,),
        in_specs=[
            pl.BlockSpec((blk, NF), lambda i: (i, 0)),
            pl.BlockSpec((NF, NF), lambda i: (0, 0)),
            pl.BlockSpec((1, NF), lambda i: (0, 0)),
        ],
        out_specs=pl.BlockSpec((blk, NF), lambda i: (i, 0)),
        out_shape=jax.ShapeDtypeStruct((A, NF), jnp.float32),
    )(x2d, w_t, b_row)


@functools.cache
def _make_gather():
    mesh = plsc.VectorSubcoreMesh(core_axis_name="c", subcore_axis_name="s")
    return functools.partial(
        pl.kernel,
        mesh=mesh,
        out_type=jax.ShapeDtypeStruct((_NE_PAD, NF), jnp.float32),
        scratch_types=[
            pltpu.VMEM((_ROWS_PER_W, 128), jnp.int32),
            pltpu.VMEM((_NBUF, 128, NF), jnp.float32),
            pltpu.SemaphoreType.DMA((_NBUF,)),
            pltpu.SemaphoreType.DMA((_NBUF,)),
        ],
    )(_gather_body)


def _gather_call(idx2d, facts):
    return _make_gather()(idx2d, facts)


def _fused_call(r2d, facts, xj, em, smask, w1, b1, w2t, b2, w3t, b3):
    return pl.pallas_call(
        _fused_body,
        grid=(_GRID_C,),
        in_specs=[
            pl.BlockSpec((_T, NBH), lambda i: (i, 0)),
            pl.BlockSpec((_T, NF), lambda i: (i, 0)),
            pl.BlockSpec((_EB, NF), lambda i: (i, 0)),
            pl.BlockSpec((_EB, _T), lambda i: (0, 0)),
            pl.BlockSpec((_EB, NBH), lambda i: (0, 0)),
            pl.BlockSpec((1, NF), lambda i: (0, 0)),
            pl.BlockSpec((1, NF), lambda i: (0, 0)),
            pl.BlockSpec((NF, NF), lambda i: (0, 0)),
            pl.BlockSpec((1, NF), lambda i: (0, 0)),
            pl.BlockSpec((NF, NF), lambda i: (0, 0)),
            pl.BlockSpec((1, NF), lambda i: (0, 0)),
        ],
        out_specs=pl.BlockSpec((_EB, NF), lambda i: (i, 0)),
        out_shape=jax.ShapeDtypeStruct((NE, NF), jnp.float32),
    )(r2d, facts, xj, em, smask, w1, b1, w2t, b2, w3t, b3)


def kernel(x, r_ij, neighbors, pairwise_mask, in2f_W, in2f_b, f2out_W,
           f2out_b, filt_W1, filt_b1, filt_W2, filt_b2):
    del pairwise_mask
    x2d = x.reshape(A, NF)
    r2d = r_ij.reshape(A, NBH)
    idx = neighbors.reshape(NE).astype(jnp.int32)
    idx2d = jnp.concatenate(
        [idx, jnp.zeros((_NE_PAD - NE,), jnp.int32)]).reshape(_IDX_ROWS, 128)

    facts = _facts_call(x2d, in2f_W.T, in2f_b.reshape(1, NF))
    xj = _gather_call(idx2d, facts)

    e_i = jnp.arange(_EB, dtype=jnp.int32)
    em = (e_i[:, None] // NBH == jnp.arange(_T, dtype=jnp.int32)[None, :])
    em = em.astype(jnp.float32)
    smask = (e_i[:, None] % NBH == jnp.arange(NBH, dtype=jnp.int32)[None, :])
    smask = smask.astype(jnp.float32)

    out = _fused_call(
        r2d, facts, xj, em, smask,
        filt_W1.reshape(1, NF), filt_b1.reshape(1, NF),
        filt_W2.T, filt_b2.reshape(1, NF),
        f2out_W.T, f2out_b.reshape(1, NF),
    )
    return out.reshape(1, A, NBH, NF)

# --- scband reference (transcript-rebuilt; emitter-appended) ---
"""Pipeline reference for scband-ftlayer-88433376625443 (READ-ONLY COPY).

The authoritative reference and input builder live on the scoring server;
editing this copy changes nothing except your own understanding.
"""

import jax, jax.numpy as jnp
import numpy as np

B, A, NBH = 1, 10000, 32
NIN, NF, NOUT = 128, 128, 128

def shifted_softplus(x):
    return jax.nn.softplus(x) - jnp.log(2.0)

def dense(h, W, b):
    return jnp.matmul(h, W.T) + b

def setup_inputs(seed: int = 0) -> dict:
    key = jax.random.key(seed)
    ks = jax.random.split(key, 12)
    x = jax.random.normal(ks[0], (B, A, NIN), dtype=jnp.float32)
    r_ij = jax.random.uniform(ks[1], (B, A, NBH), dtype=jnp.float32)
    neighbors = jax.random.randint(ks[2], (B, A, NBH), 0, A, dtype=jnp.int32)
    pairwise_mask = jnp.ones((B, A, NBH), dtype=jnp.float32)
    # learned params (spk.nn.Dense uses weight [out, in] + bias)
    in2f_W = jax.random.normal(ks[3], (NF, NIN), dtype=jnp.float32) / np.sqrt(NIN)
    in2f_b = jnp.zeros((NF,), dtype=jnp.float32)
    f2out_W = jax.random.normal(ks[4], (NOUT, NF), dtype=jnp.float32) / np.sqrt(NF)
    f2out_b = jnp.zeros((NOUT,), dtype=jnp.float32)
    # filter_network: Dense(1, NF, shifted_softplus) -> Dense(NF, NF)
    filt_W1 = jax.random.normal(ks[5], (NF, 1), dtype=jnp.float32)
    filt_b1 = jnp.zeros((NF,), dtype=jnp.float32)
    filt_W2 = jax.random.normal(ks[6], (NF, NF), dtype=jnp.float32) / np.sqrt(NF)
    filt_b2 = jnp.zeros((NF,), dtype=jnp.float32)
    return {"x": x, "r_ij": r_ij, "neighbors": neighbors, "pairwise_mask": pairwise_mask,
            "in2f_W": in2f_W, "in2f_b": in2f_b, "f2out_W": f2out_W, "f2out_b": f2out_b,
            "filt_W1": filt_W1, "filt_b1": filt_b1, "filt_W2": filt_W2, "filt_b2": filt_b2}

def reference(x, r_ij, neighbors, pairwise_mask, in2f_W, in2f_b, f2out_W, f2out_b, filt_W1, filt_b1, filt_W2, filt_b2):
    # f_ij = r_ij.unsqueeze(-1)
    f_ij = r_ij[..., None]                                  # [B, A, NBH, 1]
    # W = self.filter_network(f_ij)
    h = shifted_softplus(dense(f_ij, filt_W1, filt_b1))
    Wfil = dense(h, filt_W2, filt_b2)                       # [B, A, NBH, NF]
    # cutoff_network is None -> skip
    # facts = self.in2f(x)
    facts = dense(x, in2f_W, in2f_b)                        # [B, A, NF]
    b, a, nbh_n = neighbors.shape
    f = facts.shape[-1]
    nbh = neighbors.reshape(b, a * nbh_n, 1)
    nbh = jnp.broadcast_to(nbh, (b, a * nbh_n, f))
    xj = jnp.take_along_axis(facts, nbh, axis=1)            # gather along atom axis
    xj = xj.reshape(b, a, nbh_n, f)
    xi = facts[:, :, None, :]                               # broadcast over neighbors
    y = xi * Wfil * xj
    y = dense(y, f2out_W, f2out_b)                          # [B, A, NBH, NOUT]
    return y

if __name__ == "__main__":
    import jax
    _d = setup_inputs()
    print(jax.jit(kernel)(*tuple(_d.values())))

</pallas_src>

<mosaic_0001>
#map = affine_map<(d0, d1) -> (0, 0)>
module attributes {stable_mosaic.version = 14 : i64} {
  func.func @_gather_body(%arg0: i32, %arg1: i32, %arg2: memref<2560x128xi32, #tpu.memory_space<hbm>>, %arg3: memref<10000x128xf32, #tpu.memory_space<hbm>>, %arg4: memref<327680x128xf32, #tpu.memory_space<hbm>>, %arg5: memref<80x128xi32, #tpu.memory_space<vmem>>, %arg6: memref<4x128x128xf32, #tpu.memory_space<vmem>>, %arg7: memref<4x!tpu.dma_semaphore, #tpu.memory_space<semaphore_mem>>, %arg8: memref<4x!tpu.dma_semaphore, #tpu.memory_space<semaphore_mem>>) attributes {dimension_semantics = [#tpu.dimension_semantics<core_parallel>, #tpu.dimension_semantics<subcore_parallel>], iteration_bounds = array<i64: 2, 16>, scalar_prefetch = 0 : i64, scratch_operands = 4 : i64, tpu.core_type = #tpu.core_type<sc_vector_subcore>, window_params = [{transform_indices = #map}, {transform_indices = #map}, {transform_indices = #map}]} {
    %mul3A = arith.constant 2 : i32
    %mul3A_0 = arith.muli %arg1, %mul3A : i32
    %sub3A = arith.constant 1 : i32
    %sub3A_1 = arith.subi %sub3A, %arg0 : i32
    %add3A = arith.addi %mul3A_0, %sub3A_1 : i32
    %mul3A_2 = arith.constant 80 : i32
    %mul3A_3 = arith.muli %add3A, %mul3A_2 : i32
    "tpu.region"() ({
      %run_scoped3A = tpu.sem_alloc : memref<!tpu.dma_semaphore, #tpu.memory_space<semaphore_mem>>
      %dma_start3A_291 = arith.constant 0 : i32
      %dma_start3A_292 = tpu.memref_slice %arg2[%mul3A_3, %dma_start3A_291] : memref<2560x128xi32, #tpu.memory_space<hbm>> -> memref<80x128xi32, #tpu.memory_space<hbm>>
      %dma_start3A_293 = arith.constant 0 : i32
      %dma_start3A_294 = tpu.memref_slice %arg2[%mul3A_3, %dma_start3A_293] : memref<2560x128xi32, #tpu.memory_space<hbm>> -> memref<80x128xi32, #tpu.memory_space<hbm>>
      tpu.enqueue_dma source(%dma_start3A_294 : memref<80x128xi32, #tpu.memory_space<hbm>>) target(%arg5 : memref<80x128xi32, #tpu.memory_space<vmem>>) target_semaphore(%run_scoped3A : memref<!tpu.dma_semaphore, #tpu.memory_space<semaphore_mem>>)
      %dma_wait3A_295 = arith.constant 0 : i32
      %dma_wait3A_296 = tpu.memref_slice %arg2[%mul3A_3, %dma_wait3A_295] : memref<2560x128xi32, #tpu.memory_space<hbm>> -> memref<80x128xi32, #tpu.memory_space<hbm>>
      %dma_wait3A_297 = arith.constant 0 : i32
      %dma_wait3A_298 = tpu.memref_slice %arg2[%mul3A_3, %dma_wait3A_297] : memref<2560x128xi32, #tpu.memory_space<hbm>> -> memref<80x128xi32, #tpu.memory_space<hbm>>
      tpu.wait_dma2 semaphore(%run_scoped3A : memref<!tpu.dma_semaphore, #tpu.memory_space<semaphore_mem>>) src(%dma_wait3A_298 : memref<80x128xi32, #tpu.memory_space<hbm>>) dst(%arg5 : memref<80x128xi32, #tpu.memory_space<vmem>>)
      tpu.yield
    }) : () -> ()
    %dma_start3A = arith.constant 0 : i32
    %dma_start3A_4 = arith.constant 0 : i32
    %dma_start3A_5 = arith.constant 0 : i32
    %dma_start3A_6 = arith.constant 0 : i32
    %dma_start3A_7 = arith.constant 0 : i32
    %dma_start3A_8 = tpu.memref_slice %arg6[%dma_start3A_4, %dma_start3A_6, %dma_start3A_7] : memref<4x128x128xf32, #tpu.memory_space<vmem>> -> memref<1x128x128xf32, #tpu.memory_space<vmem>>
    %dma_start3A_9 = tpu.memref_squeeze %dma_start3A_8 : memref<1x128x128xf32, #tpu.memory_space<vmem>> -> memref<128x128xf32, #tpu.memory_space<vmem>>
    %dma_start3A_10 = arith.constant 0 : i32
    %dma_start3A_11 = tpu.memref_slice %arg5[%dma_start3A, %dma_start3A_10] : memref<80x128xi32, #tpu.memory_space<vmem>> -> memref<1x128xi32, #tpu.memory_space<vmem>>
    %dma_start3A_12 = tpu.memref_squeeze %dma_start3A_11 : memref<1x128xi32, #tpu.memory_space<vmem>> -> memref<128xi32, #tpu.memory_space<vmem>>
    %dma_start3A_13 = arith.constant 0 : i32
    %dma_start3A_14 = arith.constant 0 : i32
    %dma_start3A_15 = tpu.memref_slice %arg3[%dma_start3A_13, %dma_start3A_14] : memref<10000x128xf32, #tpu.memory_space<hbm>> -> memref<10000x128xf32, #tpu.memory_space<hbm>>
    %dma_start3A_16 = tpu.memref_slice %arg7[%dma_start3A_5] : memref<4x!tpu.dma_semaphore, #tpu.memory_space<semaphore_mem>> -> memref<1x!tpu.dma_semaphore, #tpu.memory_space<semaphore_mem>>
    %dma_start3A_17 = tpu.memref_squeeze %dma_start3A_16 : memref<1x!tpu.dma_semaphore, #tpu.memory_space<semaphore_mem>> -> memref<!tpu.dma_semaphore, #tpu.memory_space<semaphore_mem>>
    tpu.enqueue_indirect_dma source(%dma_start3A_15 : memref<10000x128xf32, #tpu.memory_space<hbm>>) target(%dma_start3A_9 : memref<128x128xf32, #tpu.memory_space<vmem>>) offsets(%dma_start3A_12 : memref<128xi32, #tpu.memory_space<vmem>>) semaphore(%dma_start3A_17 : memref<!tpu.dma_semaphore, #tpu.memory_space<semaphore_mem>>)
    %dma_start3A_18 = arith.constant 1 : i32
    %dma_start3A_19 = arith.constant 1 : i32
    %dma_start3A_20 = arith.constant 1 : i32
    %dma_start3A_21 = arith.constant 0 : i32
    %dma_start3A_22 = arith.constant 0 : i32
    %dma_start3A_23 = tpu.memref_slice %arg6[%dma_start3A_19, %dma_start3A_21, %dma_start3A_22] : memref<4x128x128xf32, #tpu.memory_space<vmem>> -> memref<1x128x128xf32, #tpu.memory_space<vmem>>
    %dma_start3A_24 = tpu.memref_squeeze %dma_start3A_23 : memref<1x128x128xf32, #tpu.memory_space<vmem>> -> memref<128x128xf32, #tpu.memory_space<vmem>>
    %dma_start3A_25 = arith.constant 0 : i32
    %dma_start3A_26 = tpu.memref_slice %arg5[%dma_start3A_18, %dma_start3A_25] : memref<80x128xi32, #tpu.memory_space<vmem>> -> memref<1x128xi32, #tpu.memory_space<vmem>>
    %dma_start3A_27 = tpu.memref_squeeze %dma_start3A_26 : memref<1x128xi32, #tpu.memory_space<vmem>> -> memref<128xi32, #tpu.memory_space<vmem>>
    %dma_start3A_28 = arith.constant 0 : i32
    %dma_start3A_29 = arith.constant 0 : i32
    %dma_start3A_30 = tpu.memref_slice %arg3[%dma_start3A_28, %dma_start3A_29] : memref<10000x128xf32, #tpu.memory_space<hbm>> -> memref<10000x128xf32, #tpu.memory_space<hbm>>
    %dma_start3A_31 = tpu.memref_slice %arg7[%dma_start3A_20] : memref<4x!tpu.dma_semaphore, #tpu.memory_space<semaphore_mem>> -> memref<1x!tpu.dma_semaphore, #tpu.memory_space<semaphore_mem>>
    %dma_start3A_32 = tpu.memref_squeeze %dma_start3A_31 : memref<1x!tpu.dma_semaphore, #tpu.memory_space<semaphore_mem>> -> memref<!tpu.dma_semaphore, #tpu.memory_space<semaphore_mem>>
    tpu.enqueue_indirect_dma source(%dma_start3A_30 : memref<10000x128xf32, #tpu.memory_space<hbm>>) target(%dma_start3A_24 : memref<128x128xf32, #tpu.memory_space<vmem>>) offsets(%dma_start3A_27 : memref<128xi32, #tpu.memory_space<vmem>>) semaphore(%dma_start3A_32 : memref<!tpu.dma_semaphore, #tpu.memory_space<semaphore_mem>>)
    %dma_start3A_33 = arith.constant 2 : i32
    %dma_start3A_34 = arith.constant 2 : i32
    %dma_start3A_35 = arith.constant 2 : i32
    %dma_start3A_36 = arith.constant 0 : i32
    %dma_start3A_37 = arith.constant 0 : i32
    %dma_start3A_38 = tpu.memref_slice %arg6[%dma_start3A_34, %dma_start3A_36, %dma_start3A_37] : memref<4x128x128xf32, #tpu.memory_space<vmem>> -> memref<1x128x128xf32, #tpu.memory_space<vmem>>
    %dma_start3A_39 = tpu.memref_squeeze %dma_start3A_38 : memref<1x128x128xf32, #tpu.memory_space<vmem>> -> memref<128x128xf32, #tpu.memory_space<vmem>>
    %dma_start3A_40 = arith.constant 0 : i32
    %dma_start3A_41 = tpu.memref_slice %arg5[%dma_start3A_33, %dma_start3A_40] : memref<80x128xi32, #tpu.memory_space<vmem>> -> memref<1x128xi32, #tpu.memory_space<vmem>>
    %dma_start3A_42 = tpu.memref_squeeze %dma_start3A_41 : memref<1x128xi32, #tpu.memory_space<vmem>> -> memref<128xi32, #tpu.memory_space<vmem>>
    %dma_start3A_43 = arith.constant 0 : i32
    %dma_start3A_44 = arith.constant 0 : i32
    %dma_start3A_45 = tpu.memref_slice %arg3[%dma_start3A_43, %dma_start3A_44] : memref<10000x128xf32, #tpu.memory_space<hbm>> -> memref<10000x128xf32, #tpu.memory_space<hbm>>
    %dma_start3A_46 = tpu.memref_slice %arg7[%dma_start3A_35] : memref<4x!tpu.dma_semaphore, #tpu.memory_space<semaphore_mem>> -> memref<1x!tpu.dma_semaphore, #tpu.memory_space<semaphore_mem>>
    %dma_start3A_47 = tpu.memref_squeeze %dma_start3A_46 : memref<1x!tpu.dma_semaphore, #tpu.memory_space<semaphore_mem>> -> memref<!tpu.dma_semaphore, #tpu.memory_space<semaphore_mem>>
    tpu.enqueue_indirect_dma source(%dma_start3A_45 : memref<10000x128xf32, #tpu.memory_space<hbm>>) target(%dma_start3A_39 : memref<128x128xf32, #tpu.memory_space<vmem>>) offsets(%dma_start3A_42 : memref<128xi32, #tpu.memory_space<vmem>>) semaphore(%dma_start3A_47 : memref<!tpu.dma_semaphore, #tpu.memory_space<semaphore_mem>>)
    %dma_start3A_48 = arith.constant 3 : i32
    %dma_start3A_49 = arith.constant 3 : i32
    %dma_start3A_50 = arith.constant 3 : i32
    %dma_start3A_51 = arith.constant 0 : i32
    %dma_start3A_52 = arith.constant 0 : i32
    %dma_start3A_53 = tpu.memref_slice %arg6[%dma_start3A_49, %dma_start3A_51, %dma_start3A_52] : memref<4x128x128xf32, #tpu.memory_space<vmem>> -> memref<1x128x128xf32, #tpu.memory_space<vmem>>
    %dma_start3A_54 = tpu.memref_squeeze %dma_start3A_53 : memref<1x128x128xf32, #tpu.memory_space<vmem>> -> memref<128x128xf32, #tpu.memory_space<vmem>>
    %dma_start3A_55 = arith.constant 0 : i32
    %dma_start3A_56 = tpu.memref_slice %arg5[%dma_start3A_48, %dma_start3A_55] : memref<80x128xi32, #tpu.memory_space<vmem>> -> memref<1x128xi32, #tpu.memory_space<vmem>>
    %dma_start3A_57 = tpu.memref_squeeze %dma_start3A_56 : memref<1x128xi32, #tpu.memory_space<vmem>> -> memref<128xi32, #tpu.memory_space<vmem>>
    %dma_start3A_58 = arith.constant 0 : i32
    %dma_start3A_59 = arith.constant 0 : i32
    %dma_start3A_60 = tpu.memref_slice %arg3[%dma_start3A_58, %dma_start3A_59] : memref<10000x128xf32, #tpu.memory_space<hbm>> -> memref<10000x128xf32, #tpu.memory_space<hbm>>
    %dma_start3A_61 = tpu.memref_slice %arg7[%dma_start3A_50] : memref<4x!tpu.dma_semaphore, #tpu.memory_space<semaphore_mem>> -> memref<1x!tpu.dma_semaphore, #tpu.memory_space<semaphore_mem>>
    %dma_start3A_62 = tpu.memref_squeeze %dma_start3A_61 : memref<1x!tpu.dma_semaphore, #tpu.memory_space<semaphore_mem>> -> memref<!tpu.dma_semaphore, #tpu.memory_space<semaphore_mem>>
    tpu.enqueue_indirect_dma source(%dma_start3A_60 : memref<10000x128xf32, #tpu.memory_space<hbm>>) target(%dma_start3A_54 : memref<128x128xf32, #tpu.memory_space<vmem>>) offsets(%dma_start3A_57 : memref<128xi32, #tpu.memory_space<vmem>>) semaphore(%dma_start3A_62 : memref<!tpu.dma_semaphore, #tpu.memory_space<semaphore_mem>>)
    %scan3A = arith.constant 0 : i32
    %scan3A_63 = arith.constant 0 : i32
    %scan3A_64 = arith.constant 19 : i32
    %scan3A_65 = arith.addi %scan3A_63, %scan3A_64 : i32
    %scan3A_66 = arith.constant 1 : i32
    scf.for %scan3A_291 = %scan3A_63 to %scan3A_65 step %scan3A_66  : i32 {
      %mul3A_292 = arith.constant 4 : i32
      %mul3A_293 = arith.muli %scan3A_291, %mul3A_292 : i32
      %add3A_294 = arith.constant 0 : i32
      %add3A_295 = arith.addi %mul3A_293, %add3A_294 : i32
      %dma_wait3A_296 = arith.constant 0 : i32
      %dma_wait3A_297 = arith.constant 0 : i32
      %dma_wait3A_298 = arith.constant 0 : i32
      %dma_wait3A_299 = arith.constant 0 : i32
      %dma_wait3A_300 = tpu.memref_slice %arg6[%dma_wait3A_296, %dma_wait3A_298, %dma_wait3A_299] : memref<4x128x128xf32, #tpu.memory_space<vmem>> -> memref<1x128x128xf32, #tpu.memory_space<vmem>>
      %dma_wait3A_301 = tpu.memref_squeeze %dma_wait3A_300 : memref<1x128x128xf32, #tpu.memory_space<vmem>> -> memref<128x128xf32, #tpu.memory_space<vmem>>
      %dma_wait3A_302 = arith.constant 0 : i32
      %dma_wait3A_303 = arith.constant 0 : i32
      %dma_wait3A_304 = tpu.memref_slice %arg3[%dma_wait3A_302, %dma_wait3A_303] : memref<10000x128xf32, #tpu.memory_space<hbm>> -> memref<128x128xf32, #tpu.memory_space<hbm>>
      %dma_wait3A_305 = tpu.memref_slice %arg7[%dma_wait3A_297] : memref<4x!tpu.dma_semaphore, #tpu.memory_space<semaphore_mem>> -> memref<1x!tpu.dma_semaphore, #tpu.memory_space<semaphore_mem>>
      %dma_wait3A_306 = tpu.memref_squeeze %dma_wait3A_305 : memref<1x!tpu.dma_semaphore, #tpu.memory_space<semaphore_mem>> -> memref<!tpu.dma_semaphore, #tpu.memory_space<semaphore_mem>>
      %dma_wait3A_307 = arith.constant 0 : i32
      %dma_wait3A_308 = arith.constant 0 : i32
      %dma_wait3A_309 = tpu.memref_slice %arg6[%dma_wait3A_296, %dma_wait3A_307, %dma_wait3A_308] : memref<4x128x128xf32, #tpu.memory_space<vmem>> -> memref<1x128x128xf32, #tpu.memory_space<vmem>>
      %dma_wait3A_310 = tpu.memref_squeeze %dma_wait3A_309 : memref<1x128x128xf32, #tpu.memory_space<vmem>> -> memref<128x128xf32, #tpu.memory_space<vmem>>
      %dma_wait3A_311 = arith.constant 0 : i32
      %dma_wait3A_312 = arith.constant 0 : i32
      %dma_wait3A_313 = tpu.memref_slice %arg3[%dma_wait3A_311, %dma_wait3A_312] : memref<10000x128xf32, #tpu.memory_space<hbm>> -> memref<128x128xf32, #tpu.memory_space<hbm>>
      tpu.wait_dma2 semaphore(%dma_wait3A_306 : memref<!tpu.dma_semaphore, #tpu.memory_space<semaphore_mem>>) src(%dma_wait3A_313 : memref<128x128xf32, #tpu.memory_space<hbm>>) dst(%dma_wait3A_310 : memref<128x128xf32, #tpu.memory_space<vmem>>)
      %add3A_314 = arith.addi %mul3A_3, %add3A_295 : i32
      %mul3A_315 = arith.constant 128 : i32
      %mul3A_316 = arith.muli %add3A_314, %mul3A_315 : i32
      %dma_start3A_317 = arith.constant 0 : i32
      %dma_start3A_318 = arith.constant 0 : i32
      %dma_start3A_319 = arith.constant 0 : i32
      %dma_start3A_320 = arith.constant 0 : i32
      %dma_start3A_321 = tpu.memref_slice %arg6[%dma_start3A_317, %dma_start3A_319, %dma_start3A_320] : memref<4x128x128xf32, #tpu.memory_space<vmem>> -> memref<1x128x128xf32, #tpu.memory_space<vmem>>
      %dma_start3A_322 = tpu.memref_squeeze %dma_start3A_321 : memref<1x128x128xf32, #tpu.memory_space<vmem>> -> memref<128x128xf32, #tpu.memory_space<vmem>>
      %dma_start3A_323 = arith.constant 0 : i32
      %dma_start3A_324 = tpu.memref_slice %arg4[%mul3A_316, %dma_start3A_323] : memref<327680x128xf32, #tpu.memory_space<hbm>> -> memref<128x128xf32, #tpu.memory_space<hbm>>
      %dma_start3A_325 = tpu.memref_slice %arg8[%dma_start3A_318] : memref<4x!tpu.dma_semaphore, #tpu.memory_space<semaphore_mem>> -> memref<1x!tpu.dma_semaphore, #tpu.memory_space<semaphore_mem>>
      %dma_start3A_326 = tpu.memref_squeeze %dma_start3A_325 : memref<1x!tpu.dma_semaphore, #tpu.memory_space<semaphore_mem>> -> memref<!tpu.dma_semaphore, #tpu.memory_space<semaphore_mem>>
      %dma_start3A_327 = arith.constant 0 : i32
      %dma_start3A_328 = tpu.memref_slice %arg4[%mul3A_316, %dma_start3A_327] : memref<327680x128xf32, #tpu.memory_space<hbm>> -> memref<128x128xf32, #tpu.memory_space<hbm>>
      %dma_start3A_329 = arith.constant 0 : i32
      %dma_start3A_330 = arith.constant 0 : i32
      %dma_start3A_331 = tpu.memref_slice %arg6[%dma_start3A_317, %dma_start3A_329, %dma_start3A_330] : memref<4x128x128xf32, #tpu.memory_space<vmem>> -> memref<1x128x128xf32, #tpu.memory_space<vmem>>
      %dma_start3A_332 = tpu.memref_squeeze %dma_start3A_331 : memref<1x128x128xf32, #tpu.memory_space<vmem>> -> memref<128x128xf32, #tpu.memory_space<vmem>>
      tpu.enqueue_dma source(%dma_start3A_332 : memref<128x128xf32, #tpu.memory_space<vmem>>) target(%dma_start3A_328 : memref<128x128xf32, #tpu.memory_space<hbm>>) target_semaphore(%dma_start3A_326 : memref<!tpu.dma_semaphore, #tpu.memory_space<semaphore_mem>>)
      %mul3A_333 = arith.constant 4 : i32
      %mul3A_334 = arith.muli %scan3A_291, %mul3A_333 : i32
      %add3A_335 = arith.constant 1 : i32
      %add3A_336 = arith.addi %mul3A_334, %add3A_335 : i32
      %dma_wait3A_337 = arith.constant 1 : i32
      %dma_wait3A_338 = arith.constant 1 : i32
      %dma_wait3A_339 = arith.constant 0 : i32
      %dma_wait3A_340 = arith.constant 0 : i32
      %dma_wait3A_341 = tpu.memref_slice %arg6[%dma_wait3A_337, %dma_wait3A_339, %dma_wait3A_340] : memref<4x128x128xf32, #tpu.memory_space<vmem>> -> memref<1x128x128xf32, #tpu.memory_space<vmem>>
      %dma_wait3A_342 = tpu.memref_squeeze %dma_wait3A_341 : memref<1x128x128xf32, #tpu.memory_space<vmem>> -> memref<128x128xf32, #tpu.memory_space<vmem>>
      %dma_wait3A_343 = arith.constant 0 : i32
      %dma_wait3A_344 = arith.constant 0 : i32
      %dma_wait3A_345 = tpu.memref_slice %arg3[%dma_wait3A_343, %dma_wait3A_344] : memref<10000x128xf32, #tpu.memory_space<hbm>> -> memref<128x128xf32, #tpu.memory_space<hbm>>
      %dma_wait3A_346 = tpu.memref_slice %arg7[%dma_wait3A_338] : memref<4x!tpu.dma_semaphore, #tpu.memory_space<semaphore_mem>> -> memref<1x!tpu.dma_semaphore, #tpu.memory_space<semaphore_mem>>
      %dma_wait3A_347 = tpu.memref_squeeze %dma_wait3A_346 : memref<1x!tpu.dma_semaphore, #tpu.memory_space<semaphore_mem>> -> memref<!tpu.dma_semaphore, #tpu.memory_space<semaphore_mem>>
      %dma_wait3A_348 = arith.constant 0 : i32
      %dma_wait3A_349 = arith.constant 0 : i32
      %dma_wait3A_350 = tpu.memref_slice %arg6[%dma_wait3A_337, %dma_wait3A_348, %dma_wait3A_349] : memref<4x128x128xf32, #tpu.memory_space<vmem>> -> memref<1x128x128xf32, #tpu.memory_space<vmem>>
      %dma_wait3A_351 = tpu.memref_squeeze %dma_wait3A_350 : memref<1x128x128xf32, #tpu.memory_space<vmem>> -> memref<128x128xf32, #tpu.memory_space<vmem>>
      %dma_wait3A_352 = arith.constant 0 : i32
      %dma_wait3A_353 = arith.constant 0 : i32
      %dma_wait3A_354 = tpu.memref_slice %arg3[%dma_wait3A_352, %dma_wait3A_353] : memref<10000x128xf32, #tpu.memory_space<hbm>> -> memref<128x128xf32, #tpu.memory_space<hbm>>
      tpu.wait_dma2 semaphore(%dma_wait3A_347 : memref<!tpu.dma_semaphore, #tpu.memory_space<semaphore_mem>>) src(%dma_wait3A_354 : memref<128x128xf32, #tpu.memory_space<hbm>>) dst(%dma_wait3A_351 : memref<128x128xf32, #tpu.memory_space<vmem>>)
      %add3A_355 = arith.addi %mul3A_3, %add3A_336 : i32
      %mul3A_356 = arith.constant 128 : i32
      %mul3A_357 = arith.muli %add3A_355, %mul3A_356 : i32
      %dma_start3A_358 = arith.constant 1 : i32
      %dma_start3A_359 = arith.constant 1 : i32
      %dma_start3A_360 = arith.constant 0 : i32
      %dma_start3A_361 = arith.constant 0 : i32
      %dma_start3A_362 = tpu.memref_slice %arg6[%dma_start3A_358, %dma_start3A_360, %dma_start3A_361] : memref<4x128x128xf32, #tpu.memory_space<vmem>> -> memref<1x128x128xf32, #tpu.memory_space<vmem>>
      %dma_start3A_363 = tpu.memref_squeeze %dma_start3A_362 : memref<1x128x128xf32, #tpu.memory_space<vmem>> -> memref<128x128xf32, #tpu.memory_space<vmem>>
      %dma_start3A_364 = arith.constant 0 : i32
      %dma_start3A_365 = tpu.memref_slice %arg4[%mul3A_357, %dma_start3A_364] : memref<327680x128xf32, #tpu.memory_space<hbm>> -> memref<128x128xf32, #tpu.memory_space<hbm>>
      %dma_start3A_366 = tpu.memref_slice %arg8[%dma_start3A_359] : memref<4x!tpu.dma_semaphore, #tpu.memory_space<semaphore_mem>> -> memref<1x!tpu.dma_semaphore, #tpu.memory_space<semaphore_mem>>
      %dma_start3A_367 = tpu.memref_squeeze %dma_start3A_366 : memref<1x!tpu.dma_semaphore, #tpu.memory_space<semaphore_mem>> -> memref<!tpu.dma_semaphore, #tpu.memory_space<semaphore_mem>>
      %dma_start3A_368 = arith.constant 0 : i32
      %dma_start3A_369 = tpu.memref_slice %arg4[%mul3A_357, %dma_start3A_368] : memref<327680x128xf32, #tpu.memory_space<hbm>> -> memref<128x128xf32, #tpu.memory_space<hbm>>
      %dma_start3A_370 = arith.constant 0 : i32
      %dma_start3A_371 = arith.constant 0 : i32
      %dma_start3A_372 = tpu.memref_slice %arg6[%dma_start3A_358, %dma_start3A_370, %dma_start3A_371] : memref<4x128x128xf32, #tpu.memory_space<vmem>> -> memref<1x128x128xf32, #tpu.memory_space<vmem>>
      %dma_start3A_373 = tpu.memref_squeeze %dma_start3A_372 : memref<1x128x128xf32, #tpu.memory_space<vmem>> -> memref<128x128xf32, #tpu.memory_space<vmem>>
      tpu.enqueue_dma source(%dma_start3A_373 : memref<128x128xf32, #tpu.memory_space<vmem>>) target(%dma_start3A_369 : memref<128x128xf32, #tpu.memory_space<hbm>>) target_semaphore(%dma_start3A_367 : memref<!tpu.dma_semaphore, #tpu.memory_space<semaphore_mem>>)
      %mul3A_374 = arith.constant 4 : i32
      %mul3A_375 = arith.muli %scan3A_291, %mul3A_374 : i32
      %add3A_376 = arith.constant 2 : i32
      %add3A_377 = arith.addi %mul3A_375, %add3A_376 : i32
      %dma_wait3A_378 = arith.constant 2 : i32
      %dma_wait3A_379 = arith.constant 2 : i32
      %dma_wait3A_380 = arith.constant 0 : i32
      %dma_wait3A_381 = arith.constant 0 : i32
      %dma_wait3A_382 = tpu.memref_slice %arg6[%dma_wait3A_378, %dma_wait3A_380, %dma_wait3A_381] : memref<4x128x128xf32, #tpu.memory_space<vmem>> -> memref<1x128x128xf32, #tpu.memory_space<vmem>>
      %dma_wait3A_383 = tpu.memref_squeeze %dma_wait3A_382 : memref<1x128x128xf32, #tpu.memory_space<vmem>> -> memref<128x128xf32, #tpu.memory_space<vmem>>
      %dma_wait3A_384 = arith.constant 0 : i32
      %dma_wait3A_385 = arith.constant 0 : i32
      %dma_wait3A_386 = tpu.memref_slice %arg3[%dma_wait3A_384, %dma_wait3A_385] : memref<10000x128xf32, #tpu.memory_space<hbm>> -> memref<128x128xf32, #tpu.memory_space<hbm>>
      %dma_wait3A_387 = tpu.memref_slice %arg7[%dma_wait3A_379] : memref<4x!tpu.dma_semaphore, #tpu.memory_space<semaphore_mem>> -> memref<1x!tpu.dma_semaphore, #tpu.memory_space<semaphore_mem>>
      %dma_wait3A_388 = tpu.memref_squeeze %dma_wait3A_387 : memref<1x!tpu.dma_semaphore, #tpu.memory_space<semaphore_mem>> -> memref<!tpu.dma_semaphore, #tpu.memory_space<semaphore_mem>>
      %dma_wait3A_389 = arith.constant 0 : i32
      %dma_wait3A_390 = arith.constant 0 : i32
      %dma_wait3A_391 = tpu.memref_slice %arg6[%dma_wait3A_378, %dma_wait3A_389, %dma_wait3A_390] : memref<4x128x128xf32, #tpu.memory_space<vmem>> -> memref<1x128x128xf32, #tpu.memory_space<vmem>>
      %dma_wait3A_392 = tpu.memref_squeeze %dma_wait3A_391 : memref<1x128x128xf32, #tpu.memory_space<vmem>> -> memref<128x128xf32, #tpu.memory_space<vmem>>
      %dma_wait3A_393 = arith.constant 0 : i32
      %dma_wait3A_394 = arith.constant 0 : i32
      %dma_wait3A_395 = tpu.memref_slice %arg3[%dma_wait3A_393, %dma_wait3A_394] : memref<10000x128xf32, #tpu.memory_space<hbm>> -> memref<128x128xf32, #tpu.memory_space<hbm>>
      tpu.wait_dma2 semaphore(%dma_wait3A_388 : memref<!tpu.dma_semaphore, #tpu.memory_space<semaphore_mem>>) src(%dma_wait3A_395 : memref<128x128xf32, #tpu.memory_space<hbm>>) dst(%dma_wait3A_392 : memref<128x128xf32, #tpu.memory_space<vmem>>)
      %add3A_396 = arith.addi %mul3A_3, %add3A_377 : i32
      %mul3A_397 = arith.constant 128 : i32
      %mul3A_398 = arith.muli %add3A_396, %mul3A_397 : i32
      %dma_start3A_399 = arith.constant 2 : i32
      %dma_start3A_400 = arith.constant 2 : i32
      %dma_start3A_401 = arith.constant 0 : i32
      %dma_start3A_402 = arith.constant 0 : i32
      %dma_start3A_403 = tpu.memref_slice %arg6[%dma_start3A_399, %dma_start3A_401, %dma_start3A_402] : memref<4x128x128xf32, #tpu.memory_space<vmem>> -> memref<1x128x128xf32, #tpu.memory_space<vmem>>
      %dma_start3A_404 = tpu.memref_squeeze %dma_start3A_403 : memref<1x128x128xf32, #tpu.memory_space<vmem>> -> memref<128x128xf32, #tpu.memory_space<vmem>>
      %dma_start3A_405 = arith.constant 0 : i32
      %dma_start3A_406 = tpu.memref_slice %arg4[%mul3A_398, %dma_start3A_405] : memref<327680x128xf32, #tpu.memory_space<hbm>> -> memref<128x128xf32, #tpu.memory_space<hbm>>
      %dma_start3A_407 = tpu.memref_slice %arg8[%dma_start3A_400] : memref<4x!tpu.dma_semaphore, #tpu.memory_space<semaphore_mem>> -> memref<1x!tpu.dma_semaphore, #tpu.memory_space<semaphore_mem>>
      %dma_start3A_408 = tpu.memref_squeeze %dma_start3A_407 : memref<1x!tpu.dma_semaphore, #tpu.memory_space<semaphore_mem>> -> memref<!tpu.dma_semaphore, #tpu.memory_space<semaphore_mem>>
      %dma_start3A_409 = arith.constant 0 : i32
      %dma_start3A_410 = tpu.memref_slice %arg4[%mul3A_398, %dma_start3A_409] : memref<327680x128xf32, #tpu.memory_space<hbm>> -> memref<128x128xf32, #tpu.memory_space<hbm>>
      %dma_start3A_411 = arith.constant 0 : i32
      %dma_start3A_412 = arith.constant 0 : i32
      %dma_start3A_413 = tpu.memref_slice %arg6[%dma_start3A_399, %dma_start3A_411, %dma_start3A_412] : memref<4x128x128xf32, #tpu.memory_space<vmem>> -> memref<1x128x128xf32, #tpu.memory_space<vmem>>
      %dma_start3A_414 = tpu.memref_squeeze %dma_start3A_413 : memref<1x128x128xf32, #tpu.memory_space<vmem>> -> memref<128x128xf32, #tpu.memory_space<vmem>>
      tpu.enqueue_dma source(%dma_start3A_414 : memref<128x128xf32, #tpu.memory_space<vmem>>) target(%dma_start3A_410 : memref<128x128xf32, #tpu.memory_space<hbm>>) target_semaphore(%dma_start3A_408 : memref<!tpu.dma_semaphore, #tpu.memory_space<semaphore_mem>>)
      %mul3A_415 = arith.constant 4 : i32
      %mul3A_416 = arith.muli %scan3A_291, %mul3A_415 : i32
      %add3A_417 = arith.constant 3 : i32
      %add3A_418 = arith.addi %mul3A_416, %add3A_417 : i32
      %dma_wait3A_419 = arith.constant 3 : i32
      %dma_wait3A_420 = arith.constant 3 : i32
      %dma_wait3A_421 = arith.constant 0 : i32
      %dma_wait3A_422 = arith.constant 0 : i32
      %dma_wait3A_423 = tpu.memref_slice %arg6[%dma_wait3A_419, %dma_wait3A_421, %dma_wait3A_422] : memref<4x128x128xf32, #tpu.memory_space<vmem>> -> memref<1x128x128xf32, #tpu.memory_space<vmem>>
      %dma_wait3A_424 = tpu.memref_squeeze %dma_wait3A_423 : memref<1x128x128xf32, #tpu.memory_space<vmem>> -> memref<128x128xf32, #tpu.memory_space<vmem>>
      %dma_wait3A_425 = arith.constant 0 : i32
      %dma_wait3A_426 = arith.constant 0 : i32
      %dma_wait3A_427 = tpu.memref_slice %arg3[%dma_wait3A_425, %dma_wait3A_426] : memref<10000x128xf32, #tpu.memory_space<hbm>> -> memref<128x128xf32, #tpu.memory_space<hbm>>
      %dma_wait3A_428 = tpu.memref_slice %arg7[%dma_wait3A_420] : memref<4x!tpu.dma_semaphore, #tpu.memory_space<semaphore_mem>> -> memref<1x!tpu.dma_semaphore, #tpu.memory_space<semaphore_mem>>
      %dma_wait3A_429 = tpu.memref_squeeze %dma_wait3A_428 : memref<1x!tpu.dma_semaphore, #tpu.memory_space<semaphore_mem>> -> memref<!tpu.dma_semaphore, #tpu.memory_space<semaphore_mem>>
      %dma_wait3A_430 = arith.constant 0 : i32
      %dma_wait3A_431 = arith.constant 0 : i32
      %dma_wait3A_432 = tpu.memref_slice %arg6[%dma_wait3A_419, %dma_wait3A_430, %dma_wait3A_431] : memref<4x128x128xf32, #tpu.memory_space<vmem>> -> memref<1x128x128xf32, #tpu.memory_space<vmem>>
      %dma_wait3A_433 = tpu.memref_squeeze %dma_wait3A_432 : memref<1x128x128xf32, #tpu.memory_space<vmem>> -> memref<128x128xf32, #tpu.memory_space<vmem>>
      %dma_wait3A_434 = arith.constant 0 : i32
      %dma_wait3A_435 = arith.constant 0 : i32
      %dma_wait3A_436 = tpu.memref_slice %arg3[%dma_wait3A_434, %dma_wait3A_435] : memref<10000x128xf32, #tpu.memory_space<hbm>> -> memref<128x128xf32, #tpu.memory_space<hbm>>
      tpu.wait_dma2 semaphore(%dma_wait3A_429 : memref<!tpu.dma_semaphore, #tpu.memory_space<semaphore_mem>>) src(%dma_wait3A_436 : memref<128x128xf32, #tpu.memory_space<hbm>>) dst(%dma_wait3A_433 : memref<128x128xf32, #tpu.memory_space<vmem>>)
      %add3A_437 = arith.addi %mul3A_3, %add3A_418 : i32
      %mul3A_438 = arith.constant 128 : i32
      %mul3A_439 = arith.muli %add3A_437, %mul3A_438 : i32
      %dma_start3A_440 = arith.constant 3 : i32
      %dma_start3A_441 = arith.constant 3 : i32
      %dma_start3A_442 = arith.constant 0 : i32
      %dma_start3A_443 = arith.constant 0 : i32
      %dma_start3A_444 = tpu.memref_slice %arg6[%dma_start3A_440, %dma_start3A_442, %dma_start3A_443] : memref<4x128x128xf32, #tpu.memory_space<vmem>> -> memref<1x128x128xf32, #tpu.memory_space<vmem>>
      %dma_start3A_445 = tpu.memref_squeeze %dma_start3A_444 : memref<1x128x128xf32, #tpu.memory_space<vmem>> -> memref<128x128xf32, #tpu.memory_space<vmem>>
      %dma_start3A_446 = arith.constant 0 : i32
      %dma_start3A_447 = tpu.memref_slice %arg4[%mul3A_439, %dma_start3A_446] : memref<327680x128xf32, #tpu.memory_space<hbm>> -> memref<128x128xf32, #tpu.memory_space<hbm>>
      %dma_start3A_448 = tpu.memref_slice %arg8[%dma_start3A_441] : memref<4x!tpu.dma_semaphore, #tpu.memory_space<semaphore_mem>> -> memref<1x!tpu.dma_semaphore, #tpu.memory_space<semaphore_mem>>
      %dma_start3A_449 = tpu.memref_squeeze %dma_start3A_448 : memref<1x!tpu.dma_semaphore, #tpu.memory_space<semaphore_mem>> -> memref<!tpu.dma_semaphore, #tpu.memory_space<semaphore_mem>>
      %dma_start3A_450 = arith.constant 0 : i32
      %dma_start3A_451 = tpu.memref_slice %arg4[%mul3A_439, %dma_start3A_450] : memref<327680x128xf32, #tpu.memory_space<hbm>> -> memref<128x128xf32, #tpu.memory_space<hbm>>
      %dma_start3A_452 = arith.constant 0 : i32
      %dma_start3A_453 = arith.constant 0 : i32
      %dma_start3A_454 = tpu.memref_slice %arg6[%dma_start3A_440, %dma_start3A_452, %dma_start3A_453] : memref<4x128x128xf32, #tpu.memory_space<vmem>> -> memref<1x128x128xf32, #tpu.memory_space<vmem>>
      %dma_start3A_455 = tpu.memref_squeeze %dma_start3A_454 : memref<1x128x128xf32, #tpu.memory_space<vmem>> -> memref<128x128xf32, #tpu.memory_space<vmem>>
      tpu.enqueue_dma source(%dma_start3A_455 : memref<128x128xf32, #tpu.memory_space<vmem>>) target(%dma_start3A_451 : memref<128x128xf32, #tpu.memory_space<hbm>>) target_semaphore(%dma_start3A_449 : memref<!tpu.dma_semaphore, #tpu.memory_space<semaphore_mem>>)
      %mul3A_456 = arith.constant 4 : i32
      %mul3A_457 = arith.muli %scan3A_291, %mul3A_456 : i32
      %add3A_458 = arith.constant 0 : i32
      %add3A_459 = arith.addi %mul3A_457, %add3A_458 : i32
      %mul3A_460 = arith.constant 128 : i32
      %mul3A_461 = arith.muli %mul3A_3, %mul3A_460 : i32
      %dma_wait3A_462 = arith.constant 0 : i32
      %dma_wait3A_463 = arith.constant 0 : i32
      %dma_wait3A_464 = arith.constant 0 : i32
      %dma_wait3A_465 = arith.constant 0 : i32
      %dma_wait3A_466 = tpu.memref_slice %arg6[%dma_wait3A_462, %dma_wait3A_464, %dma_wait3A_465] : memref<4x128x128xf32, #tpu.memory_space<vmem>> -> memref<1x128x128xf32, #tpu.memory_space<vmem>>
      %dma_wait3A_467 = tpu.memref_squeeze %dma_wait3A_466 : memref<1x128x128xf32, #tpu.memory_space<vmem>> -> memref<128x128xf32, #tpu.memory_space<vmem>>
      %dma_wait3A_468 = arith.constant 0 : i32
      %dma_wait3A_469 = tpu.memref_slice %arg4[%mul3A_461, %dma_wait3A_468] : memref<327680x128xf32, #tpu.memory_space<hbm>> -> memref<128x128xf32, #tpu.memory_space<hbm>>
      %dma_wait3A_470 = tpu.memref_slice %arg8[%dma_wait3A_463] : memref<4x!tpu.dma_semaphore, #tpu.memory_space<semaphore_mem>> -> memref<1x!tpu.dma_semaphore, #tpu.memory_space<semaphore_mem>>
      %dma_wait3A_471 = tpu.memref_squeeze %dma_wait3A_470 : memref<1x!tpu.dma_semaphore, #tpu.memory_space<semaphore_mem>> -> memref<!tpu.dma_semaphore, #tpu.memory_space<semaphore_mem>>
      %dma_wait3A_472 = arith.constant 0 : i32
      %dma_wait3A_473 = tpu.memref_slice %arg4[%mul3A_461, %dma_wait3A_472] : memref<327680x128xf32, #tpu.memory_space<hbm>> -> memref<128x128xf32, #tpu.memory_space<hbm>>
      %dma_wait3A_474 = arith.constant 0 : i32
      %dma_wait3A_475 = arith.constant 0 : i32
      %dma_wait3A_476 = tpu.memref_slice %arg6[%dma_wait3A_462, %dma_wait3A_474, %dma_wait3A_475] : memref<4x128x128xf32, #tpu.memory_space<vmem>> -> memref<1x128x128xf32, #tpu.memory_space<vmem>>
      %dma_wait3A_477 = tpu.memref_squeeze %dma_wait3A_476 : memref<1x128x128xf32, #tpu.memory_space<vmem>> -> memref<128x128xf32, #tpu.memory_space<vmem>>
      tpu.wait_dma2 semaphore(%dma_wait3A_471 : memref<!tpu.dma_semaphore, #tpu.memory_space<semaphore_mem>>) src(%dma_wait3A_477 : memref<128x128xf32, #tpu.memory_space<vmem>>) dst(%dma_wait3A_473 : memref<128x128xf32, #tpu.memory_space<hbm>>)
      %add3A_478 = arith.constant 4 : i32
      %add3A_479 = arith.addi %add3A_459, %add3A_478 : i32
      %dma_start3A_480 = arith.constant 0 : i32
      %dma_start3A_481 = arith.constant 0 : i32
      %dma_start3A_482 = arith.constant 0 : i32
      %dma_start3A_483 = arith.constant 0 : i32
      %dma_start3A_484 = tpu.memref_slice %arg6[%dma_start3A_480, %dma_start3A_482, %dma_start3A_483] : memref<4x128x128xf32, #tpu.memory_space<vmem>> -> memref<1x128x128xf32, #tpu.memory_space<vmem>>
      %dma_start3A_485 = tpu.memref_squeeze %dma_start3A_484 : memref<1x128x128xf32, #tpu.memory_space<vmem>> -> memref<128x128xf32, #tpu.memory_space<vmem>>
      %dma_start3A_486 = arith.constant 0 : i32
      %dma_start3A_487 = tpu.memref_slice %arg5[%add3A_479, %dma_start3A_486] : memref<80x128xi32, #tpu.memory_space<vmem>> -> memref<1x128xi32, #tpu.memory_space<vmem>>
      %dma_start3A_488 = tpu.memref_squeeze %dma_start3A_487 : memref<1x128xi32, #tpu.memory_space<vmem>> -> memref<128xi32, #tpu.memory_space<vmem>>
      %dma_start3A_489 = arith.constant 0 : i32
      %dma_start3A_490 = arith.constant 0 : i32
      %dma_start3A_491 = tpu.memref_slice %arg3[%dma_start3A_489, %dma_start3A_490] : memref<10000x128xf32, #tpu.memory_space<hbm>> -> memref<10000x128xf32, #tpu.memory_space<hbm>>
      %dma_start3A_492 = tpu.memref_slice %arg7[%dma_start3A_481] : memref<4x!tpu.dma_semaphore, #tpu.memory_space<semaphore_mem>> -> memref<1x!tpu.dma_semaphore, #tpu.memory_space<semaphore_mem>>
      %dma_start3A_493 = tpu.memref_squeeze %dma_start3A_492 : memref<1x!tpu.dma_semaphore, #tpu.memory_space<semaphore_mem>> -> memref<!tpu.dma_semaphore, #tpu.memory_space<semaphore_mem>>
      tpu.enqueue_indirect_dma source(%dma_start3A_491 : memref<10000x128xf32, #tpu.memory_space<hbm>>) target(%dma_start3A_485 : memref<128x128xf32, #tpu.memory_space<vmem>>) offsets(%dma_start3A_488 : memref<128xi32, #tpu.memory_space<vmem>>) semaphore(%dma_start3A_493 : memref<!tpu.dma_semaphore, #tpu.memory_space<semaphore_mem>>)
      %mul3A_494 = arith.constant 4 : i32
      %mul3A_495 = arith.muli %scan3A_291, %mul3A_494 : i32
      %add3A_496 = arith.constant 1 : i32
      %add3A_497 = arith.addi %mul3A_495, %add3A_496 : i32
      %mul3A_498 = arith.constant 128 : i32
      %mul3A_499 = arith.muli %mul3A_3, %mul3A_498 : i32
      %dma_wait3A_500 = arith.constant 1 : i32
      %dma_wait3A_501 = arith.constant 1 : i32
      %dma_wait3A_502 = arith.constant 0 : i32
      %dma_wait3A_503 = arith.constant 0 : i32
      %dma_wait3A_504 = tpu.memref_slice %arg6[%dma_wait3A_500, %dma_wait3A_502, %dma_wait3A_503] : memref<4x128x128xf32, #tpu.memory_space<vmem>> -> memref<1x128x128xf32, #tpu.memory_space<vmem>>
      %dma_wait3A_505 = tpu.memref_squeeze %dma_wait3A_504 : memref<1x128x128xf32, #tpu.memory_space<vmem>> -> memref<128x128xf32, #tpu.memory_space<vmem>>
      %dma_wait3A_506 = arith.constant 0 : i32
      %dma_wait3A_507 = tpu.memref_slice %arg4[%mul3A_499, %dma_wait3A_506] : memref<327680x128xf32, #tpu.memory_space<hbm>> -> memref<128x128xf32, #tpu.memory_space<hbm>>
      %dma_wait3A_508 = tpu.memref_slice %arg8[%dma_wait3A_501] : memref<4x!tpu.dma_semaphore, #tpu.memory_space<semaphore_mem>> -> memref<1x!tpu.dma_semaphore, #tpu.memory_space<semaphore_mem>>
      %dma_wait3A_509 = tpu.memref_squeeze %dma_wait3A_508 : memref<1x!tpu.dma_semaphore, #tpu.memory_space<semaphore_mem>> -> memref<!tpu.dma_semaphore, #tpu.memory_space<semaphore_mem>>
      %dma_wait3A_510 = arith.constant 0 : i32
      %dma_wait3A_511 = tpu.memref_slice %arg4[%mul3A_499, %dma_wait3A_510] : memref<327680x128xf32, #tpu.memory_space<hbm>> -> memref<128x128xf32, #tpu.memory_space<hbm>>
      %dma_wait3A_512 = arith.constant 0 : i32
      %dma_wait3A_513 = arith.constant 0 : i32
      %dma_wait3A_514 = tpu.memref_slice %arg6[%dma_wait3A_500, %dma_wait3A_512, %dma_wait3A_513] : memref<4x128x128xf32, #tpu.memory_space<vmem>> -> memref<1x128x128xf32, #tpu.memory_space<vmem>>
      %dma_wait3A_515 = tpu.memref_squeeze %dma_wait3A_514 : memref<1x128x128xf32, #tpu.memory_space<vmem>> -> memref<128x128xf32, #tpu.memory_space<vmem>>
      tpu.wait_dma2 semaphore(%dma_wait3A_509 : memref<!tpu.dma_semaphore, #tpu.memory_space<semaphore_mem>>) src(%dma_wait3A_515 : memref<128x128xf32, #tpu.memory_space<vmem>>) dst(%dma_wait3A_511 : memref<128x128xf32, #tpu.memory_space<hbm>>)
      %add3A_516 = arith.constant 4 : i32
      %add3A_517 = arith.addi %add3A_497, %add3A_516 : i32
      %dma_start3A_518 = arith.constant 1 : i32
      %dma_start3A_519 = arith.constant 1 : i32
      %dma_start3A_520 = arith.constant 0 : i32
      %dma_start3A_521 = arith.constant 0 : i32
      %dma_start3A_522 = tpu.memref_slice %arg6[%dma_start3A_518, %dma_start3A_520, %dma_start3A_521] : memref<4x128x128xf32, #tpu.memory_space<vmem>> -> memref<1x128x128xf32, #tpu.memory_space<vmem>>
      %dma_start3A_523 = tpu.memref_squeeze %dma_start3A_522 : memref<1x128x128xf32, #tpu.memory_space<vmem>> -> memref<128x128xf32, #tpu.memory_space<vmem>>
      %dma_start3A_524 = arith.constant 0 : i32
      %dma_start3A_525 = tpu.memref_slice %arg5[%add3A_517, %dma_start3A_524] : memref<80x128xi32, #tpu.memory_space<vmem>> -> memref<1x128xi32, #tpu.memory_space<vmem>>
      %dma_start3A_526 = tpu.memref_squeeze %dma_start3A_525 : memref<1x128xi32, #tpu.memory_space<vmem>> -> memref<128xi32, #tpu.memory_space<vmem>>
      %dma_start3A_527 = arith.constant 0 : i32
      %dma_start3A_528 = arith.constant 0 : i32
      %dma_start3A_529 = tpu.memref_slice %arg3[%dma_start3A_527, %dma_start3A_528] : memref<10000x128xf32, #tpu.memory_space<hbm>> -> memref<10000x128xf32, #tpu.memory_space<hbm>>
      %dma_start3A_530 = tpu.memref_slice %arg7[%dma_start3A_519] : memref<4x!tpu.dma_semaphore, #tpu.memory_space<semaphore_mem>> -> memref<1x!tpu.dma_semaphore, #tpu.memory_space<semaphore_mem>>
      %dma_start3A_531 = tpu.memref_squeeze %dma_start3A_530 : memref<1x!tpu.dma_semaphore, #tpu.memory_space<semaphore_mem>> -> memref<!tpu.dma_semaphore, #tpu.memory_space<semaphore_mem>>
      tpu.enqueue_indirect_dma source(%dma_start3A_529 : memref<10000x128xf32, #tpu.memory_space<hbm>>) target(%dma_start3A_523 : memref<128x128xf32, #tpu.memory_space<vmem>>) offsets(%dma_start3A_526 : memref<128xi32, #tpu.memory_space<vmem>>) semaphore(%dma_start3A_531 : memref<!tpu.dma_semaphore, #tpu.memory_space<semaphore_mem>>)
      %mul3A_532 = arith.constant 4 : i32
      %mul3A_533 = arith.muli %scan3A_291, %mul3A_532 : i32
      %add3A_534 = arith.constant 2 : i32
      %add3A_535 = arith.addi %mul3A_533, %add3A_534 : i32
      %mul3A_536 = arith.constant 128 : i32
      %mul3A_537 = arith.muli %mul3A_3, %mul3A_536 : i32
      %dma_wait3A_538 = arith.constant 2 : i32
      %dma_wait3A_539 = arith.constant 2 : i32
      %dma_wait3A_540 = arith.constant 0 : i32
      %dma_wait3A_541 = arith.constant 0 : i32
      %dma_wait3A_542 = tpu.memref_slice %arg6[%dma_wait3A_538, %dma_wait3A_540, %dma_wait3A_541] : memref<4x128x128xf32, #tpu.memory_space<vmem>> -> memref<1x128x128xf32, #tpu.memory_space<vmem>>
      %dma_wait3A_543 = tpu.memref_squeeze %dma_wait3A_542 : memref<1x128x128xf32, #tpu.memory_space<vmem>> -> memref<128x128xf32, #tpu.memory_space<vmem>>
      %dma_wait3A_544 = arith.constant 0 : i32
      %dma_wait3A_545 = tpu.memref_slice %arg4[%mul3A_537, %dma_wait3A_544] : memref<327680x128xf32, #tpu.memory_space<hbm>> -> memref<128x128xf32, #tpu.memory_space<hbm>>
      %dma_wait3A_546 = tpu.memref_slice %arg8[%dma_wait3A_539] : memref<4x!tpu.dma_semaphore, #tpu.memory_space<semaphore_mem>> -> memref<1x!tpu.dma_semaphore, #tpu.memory_space<semaphore_mem>>
      %dma_wait3A_547 = tpu.memref_squeeze %dma_wait3A_546 : memref<1x!tpu.dma_semaphore, #tpu.memory_space<semaphore_mem>> -> memref<!tpu.dma_semaphore, #tpu.memory_space<semaphore_mem>>
      %dma_wait3A_548 = arith.constant 0 : i32
      %dma_wait3A_549 = tpu.memref_slice %arg4[%mul3A_537, %dma_wait3A_548] : memref<327680x128xf32, #tpu.memory_space<hbm>> -> memref<128x128xf32, #tpu.memory_space<hbm>>
      %dma_wait3A_550 = arith.constant 0 : i32
      %dma_wait3A_551 = arith.constant 0 : i32
      %dma_wait3A_552 = tpu.memref_slice %arg6[%dma_wait3A_538, %dma_wait3A_550, %dma_wait3A_551] : memref<4x128x128xf32, #tpu.memory_space<vmem>> -> memref<1x128x128xf32, #tpu.memory_space<vmem>>
      %dma_wait3A_553 = tpu.memref_squeeze %dma_wait3A_552 : memref<1x128x128xf32, #tpu.memory_space<vmem>> -> memref<128x128xf32, #tpu.memory_space<vmem>>
      tpu.wait_dma2 semaphore(%dma_wait3A_547 : memref<!tpu.dma_semaphore, #tpu.memory_space<semaphore_mem>>) src(%dma_wait3A_553 : memref<128x128xf32, #tpu.memory_space<vmem>>) dst(%dma_wait3A_549 : memref<128x128xf32, #tpu.memory_space<hbm>>)
      %add3A_554 = arith.constant 4 : i32
      %add3A_555 = arith.addi %add3A_535, %add3A_554 : i32
      %dma_start3A_556 = arith.constant 2 : i32
      %dma_start3A_557 = arith.constant 2 : i32
      %dma_start3A_558 = arith.constant 0 : i32
      %dma_start3A_559 = arith.constant 0 : i32
      %dma_start3A_560 = tpu.memref_slice %arg6[%dma_start3A_556, %dma_start3A_558, %dma_start3A_559] : memref<4x128x128xf32, #tpu.memory_space<vmem>> -> memref<1x128x128xf32, #tpu.memory_space<vmem>>
      %dma_start3A_561 = tpu.memref_squeeze %dma_start3A_560 : memref<1x128x128xf32, #tpu.memory_space<vmem>> -> memref<128x128xf32, #tpu.memory_space<vmem>>
      %dma_start3A_562 = arith.constant 0 : i32
      %dma_start3A_563 = tpu.memref_slice %arg5[%add3A_555, %dma_start3A_562] : memref<80x128xi32, #tpu.memory_space<vmem>> -> memref<1x128xi32, #tpu.memory_space<vmem>>
      %dma_start3A_564 = tpu.memref_squeeze %dma_start3A_563 : memref<1x128xi32, #tpu.memory_space<vmem>> -> memref<128xi32, #tpu.memory_space<vmem>>
      %dma_start3A_565 = arith.constant 0 : i32
      %dma_start3A_566 = arith.constant 0 : i32
      %dma_start3A_567 = tpu.memref_slice %arg3[%dma_start3A_565, %dma_start3A_566] : memref<10000x128xf32, #tpu.memory_space<hbm>> -> memref<10000x128xf32, #tpu.memory_space<hbm>>
      %dma_start3A_568 = tpu.memref_slice %arg7[%dma_start3A_557] : memref<4x!tpu.dma_semaphore, #tpu.memory_space<semaphore_mem>> -> memref<1x!tpu.dma_semaphore, #tpu.memory_space<semaphore_mem>>
      %dma_start3A_569 = tpu.memref_squeeze %dma_start3A_568 : memref<1x!tpu.dma_semaphore, #tpu.memory_space<semaphore_mem>> -> memref<!tpu.dma_semaphore, #tpu.memory_space<semaphore_mem>>
      tpu.enqueue_indirect_dma source(%dma_start3A_567 : memref<10000x128xf32, #tpu.memory_space<hbm>>) target(%dma_start3A_561 : memref<128x128xf32, #tpu.memory_space<vmem>>) offsets(%dma_start3A_564 : memref<128xi32, #tpu.memory_space<vmem>>) semaphore(%dma_start3A_569 : memref<!tpu.dma_semaphore, #tpu.memory_space<semaphore_mem>>)
      %mul3A_570 = arith.constant 4 : i32
      %mul3A_571 = arith.muli %scan3A_291, %mul3A_570 : i32
      %add3A_572 = arith.constant 3 : i32
      %add3A_573 = arith.addi %mul3A_571, %add3A_572 : i32
      %mul3A_574 = arith.constant 128 : i32
      %mul3A_575 = arith.muli %mul3A_3, %mul3A_574 : i32
      %dma_wait3A_576 = arith.constant 3 : i32
      %dma_wait3A_577 = arith.constant 3 : i32
      %dma_wait3A_578 = arith.constant 0 : i32
      %dma_wait3A_579 = arith.constant 0 : i32
      %dma_wait3A_580 = tpu.memref_slice %arg6[%dma_wait3A_576, %dma_wait3A_578, %dma_wait3A_579] : memref<4x128x128xf32, #tpu.memory_space<vmem>> -> memref<1x128x128xf32, #tpu.memory_space<vmem>>
      %dma_wait3A_581 = tpu.memref_squeeze %dma_wait3A_580 : memref<1x128x128xf32, #tpu.memory_space<vmem>> -> memref<128x128xf32, #tpu.memory_space<vmem>>
      %dma_wait3A_582 = arith.constant 0 : i32
      %dma_wait3A_583 = tpu.memref_slice %arg4[%mul3A_575, %dma_wait3A_582] : memref<327680x128xf32, #tpu.memory_space<hbm>> -> memref<128x128xf32, #tpu.memory_space<hbm>>
      %dma_wait3A_584 = tpu.memref_slice %arg8[%dma_wait3A_577] : memref<4x!tpu.dma_semaphore, #tpu.memory_space<semaphore_mem>> -> memref<1x!tpu.dma_semaphore, #tpu.memory_space<semaphore_mem>>
      %dma_wait3A_585 = tpu.memref_squeeze %dma_wait3A_584 : memref<1x!tpu.dma_semaphore, #tpu.memory_space<semaphore_mem>> -> memref<!tpu.dma_semaphore, #tpu.memory_space<semaphore_mem>>
      %dma_wait3A_586 = arith.constant 0 : i32
      %dma_wait3A_587 = tpu.memref_slice %arg4[%mul3A_575, %dma_wait3A_586] : memref<327680x128xf32, #tpu.memory_space<hbm>> -> memref<128x128xf32, #tpu.memory_space<hbm>>
      %dma_wait3A_588 = arith.constant 0 : i32
      %dma_wait3A_589 = arith.constant 0 : i32
      %dma_wait3A_590 = tpu.memref_slice %arg6[%dma_wait3A_576, %dma_wait3A_588, %dma_wait3A_589] : memref<4x128x128xf32, #tpu.memory_space<vmem>> -> memref<1x128x128xf32, #tpu.memory_space<vmem>>
      %dma_wait3A_591 = tpu.memref_squeeze %dma_wait3A_590 : memref<1x128x128xf32, #tpu.memory_space<vmem>> -> memref<128x128xf32, #tpu.memory_space<vmem>>
      tpu.wait_dma2 semaphore(%dma_wait3A_585 : memref<!tpu.dma_semaphore, #tpu.memory_space<semaphore_mem>>) src(%dma_wait3A_591 : memref<128x128xf32, #tpu.memory_space<vmem>>) dst(%dma_wait3A_587 : memref<128x128xf32, #tpu.memory_space<hbm>>)
      %add3A_592 = arith.constant 4 : i32
      %add3A_593 = arith.addi %add3A_573, %add3A_592 : i32
      %dma_start3A_594 = arith.constant 3 : i32
      %dma_start3A_595 = arith.constant 3 : i32
      %dma_start3A_596 = arith.constant 0 : i32
      %dma_start3A_597 = arith.constant 0 : i32
      %dma_start3A_598 = tpu.memref_slice %arg6[%dma_start3A_594, %dma_start3A_596, %dma_start3A_597] : memref<4x128x128xf32, #tpu.memory_space<vmem>> -> memref<1x128x128xf32, #tpu.memory_space<vmem>>
      %dma_start3A_599 = tpu.memref_squeeze %dma_start3A_598 : memref<1x128x128xf32, #tpu.memory_space<vmem>> -> memref<128x128xf32, #tpu.memory_space<vmem>>
      %dma_start3A_600 = arith.constant 0 : i32
      %dma_start3A_601 = tpu.memref_slice %arg5[%add3A_593, %dma_start3A_600] : memref<80x128xi32, #tpu.memory_space<vmem>> -> memref<1x128xi32, #tpu.memory_space<vmem>>
      %dma_start3A_602 = tpu.memref_squeeze %dma_start3A_601 : memref<1x128xi32, #tpu.memory_space<vmem>> -> memref<128xi32, #tpu.memory_space<vmem>>
      %dma_start3A_603 = arith.constant 0 : i32
      %dma_start3A_604 = arith.constant 0 : i32
      %dma_start3A_605 = tpu.memref_slice %arg3[%dma_start3A_603, %dma_start3A_604] : memref<10000x128xf32, #tpu.memory_space<hbm>> -> memref<10000x128xf32, #tpu.memory_space<hbm>>
      %dma_start3A_606 = tpu.memref_slice %arg7[%dma_start3A_595] : memref<4x!tpu.dma_semaphore, #tpu.memory_space<semaphore_mem>> -> memref<1x!tpu.dma_semaphore, #tpu.memory_space<semaphore_mem>>
      %dma_start3A_607 = tpu.memref_squeeze %dma_start3A_606 : memref<1x!tpu.dma_semaphore, #tpu.memory_space<semaphore_mem>> -> memref<!tpu.dma_semaphore, #tpu.memory_space<semaphore_mem>>
      tpu.enqueue_indirect_dma source(%dma_start3A_605 : memref<10000x128xf32, #tpu.memory_space<hbm>>) target(%dma_start3A_599 : memref<128x128xf32, #tpu.memory_space<vmem>>) offsets(%dma_start3A_602 : memref<128xi32, #tpu.memory_space<vmem>>) semaphore(%dma_start3A_607 : memref<!tpu.dma_semaphore, #tpu.memory_space<semaphore_mem>>)
    }
    %scan3A_67 = arith.constant 19 : i32
    %dma_wait3A = arith.constant 0 : i32
    %dma_wait3A_68 = arith.constant 0 : i32
    %dma_wait3A_69 = arith.constant 0 : i32
    %dma_wait3A_70 = arith.constant 0 : i32
    %dma_wait3A_71 = tpu.memref_slice %arg6[%dma_wait3A, %dma_wait3A_69, %dma_wait3A_70] : memref<4x128x128xf32, #tpu.memory_space<vmem>> -> memref<1x128x128xf32, #tpu.memory_space<vmem>>
    %dma_wait3A_72 = tpu.memref_squeeze %dma_wait3A_71 : memref<1x128x128xf32, #tpu.memory_space<vmem>> -> memref<128x128xf32, #tpu.memory_space<vmem>>
    %dma_wait3A_73 = arith.constant 0 : i32
    %dma_wait3A_74 = arith.constant 0 : i32
    %dma_wait3A_75 = tpu.memref_slice %arg3[%dma_wait3A_73, %dma_wait3A_74] : memref<10000x128xf32, #tpu.memory_space<hbm>> -> memref<128x128xf32, #tpu.memory_space<hbm>>
    %dma_wait3A_76 = tpu.memref_slice %arg7[%dma_wait3A_68] : memref<4x!tpu.dma_semaphore, #tpu.memory_space<semaphore_mem>> -> memref<1x!tpu.dma_semaphore, #tpu.memory_space<semaphore_mem>>
    %dma_wait3A_77 = tpu.memref_squeeze %dma_wait3A_76 : memref<1x!tpu.dma_semaphore, #tpu.memory_space<semaphore_mem>> -> memref<!tpu.dma_semaphore, #tpu.memory_space<semaphore_mem>>
    %dma_wait3A_78 = arith.constant 0 : i32
    %dma_wait3A_79 = arith.constant 0 : i32
    %dma_wait3A_80 = tpu.memref_slice %arg6[%dma_wait3A, %dma_wait3A_78, %dma_wait3A_79] : memref<4x128x128xf32, #tpu.memory_space<vmem>> -> memref<1x128x128xf32, #tpu.memory_space<vmem>>
    %dma_wait3A_81 = tpu.memref_squeeze %dma_wait3A_80 : memref<1x128x128xf32, #tpu.memory_space<vmem>> -> memref<128x128xf32, #tpu.memory_space<vmem>>
    %dma_wait3A_82 = arith.constant 0 : i32
    %dma_wait3A_83 = arith.constant 0 : i32
    %dma_wait3A_84 = tpu.memref_slice %arg3[%dma_wait3A_82, %dma_wait3A_83] : memref<10000x128xf32, #tpu.memory_space<hbm>> -> memref<128x128xf32, #tpu.memory_space<hbm>>
    tpu.wait_dma2 semaphore(%dma_wait3A_77 : memref<!tpu.dma_semaphore, #tpu.memory_space<semaphore_mem>>) src(%dma_wait3A_84 : memref<128x128xf32, #tpu.memory_space<hbm>>) dst(%dma_wait3A_81 : memref<128x128xf32, #tpu.memory_space<vmem>>)
    %add3A_85 = arith.constant 76 : i32
    %add3A_86 = arith.addi %mul3A_3, %add3A_85 : i32
    %mul3A_87 = arith.constant 128 : i32
    %mul3A_88 = arith.muli %add3A_86, %mul3A_87 : i32
    %dma_start3A_89 = arith.constant 0 : i32
    %dma_start3A_90 = arith.constant 0 : i32
    %dma_start3A_91 = arith.constant 0 : i32
    %dma_start3A_92 = arith.constant 0 : i32
    %dma_start3A_93 = tpu.memref_slice %arg6[%dma_start3A_89, %dma_start3A_91, %dma_start3A_92] : memref<4x128x128xf32, #tpu.memory_space<vmem>> -> memref<1x128x128xf32, #tpu.memory_space<vmem>>
    %dma_start3A_94 = tpu.memref_squeeze %dma_start3A_93 : memref<1x128x128xf32, #tpu.memory_space<vmem>> -> memref<128x128xf32, #tpu.memory_space<vmem>>
    %dma_start3A_95 = arith.constant 0 : i32
    %dma_start3A_96 = tpu.memref_slice %arg4[%mul3A_88, %dma_start3A_95] : memref<327680x128xf32, #tpu.memory_space<hbm>> -> memref<128x128xf32, #tpu.memory_space<hbm>>
    %dma_start3A_97 = tpu.memref_slice %arg8[%dma_start3A_90] : memref<4x!tpu.dma_semaphore, #tpu.memory_space<semaphore_mem>> -> memref<1x!tpu.dma_semaphore, #tpu.memory_space<semaphore_mem>>
    %dma_start3A_98 = tpu.memref_squeeze %dma_start3A_97 : memref<1x!tpu.dma_semaphore, #tpu.memory_space<semaphore_mem>> -> memref<!tpu.dma_semaphore, #tpu.memory_space<semaphore_mem>>
    %dma_start3A_99 = arith.constant 0 : i32
    %dma_start3A_100 = tpu.memref_slice %arg4[%mul3A_88, %dma_start3A_99] : memref<327680x128xf32, #tpu.memory_space<hbm>> -> memref<128x128xf32, #tpu.memory_space<hbm>>
    %dma_start3A_101 = arith.constant 0 : i32
    %dma_start3A_102 = arith.constant 0 : i32
    %dma_start3A_103 = tpu.memref_slice %arg6[%dma_start3A_89, %dma_start3A_101, %dma_start3A_102] : memref<4x128x128xf32, #tpu.memory_space<vmem>> -> memref<1x128x128xf32, #tpu.memory_space<vmem>>
    %dma_start3A_104 = tpu.memref_squeeze %dma_start3A_103 : memref<1x128x128xf32, #tpu.memory_space<vmem>> -> memref<128x128xf32, #tpu.memory_space<vmem>>
    tpu.enqueue_dma source(%dma_start3A_104 : memref<128x128xf32, #tpu.memory_space<vmem>>) target(%dma_start3A_100 : memref<128x128xf32, #tpu.memory_space<hbm>>) target_semaphore(%dma_start3A_98 : memref<!tpu.dma_semaphore, #tpu.memory_space<semaphore_mem>>)
    %dma_wait3A_105 = arith.constant 1 : i32
    %dma_wait3A_106 = arith.constant 1 : i32
    %dma_wait3A_107 = arith.constant 0 : i32
    %dma_wait3A_108 = arith.constant 0 : i32
    %dma_wait3A_109 = tpu.memref_slice %arg6[%dma_wait3A_105, %dma_wait3A_107, %dma_wait3A_108] : memref<4x128x128xf32, #tpu.memory_space<vmem>> -> memref<1x128x128xf32, #tpu.memory_space<vmem>>
    %dma_wait3A_110 = tpu.memref_squeeze %dma_wait3A_109 : memref<1x128x128xf32, #tpu.memory_space<vmem>> -> memref<128x128xf32, #tpu.memory_space<vmem>>
    %dma_wait3A_111 = arith.constant 0 : i32
    %dma_wait3A_112 = arith.constant 0 : i32
    %dma_wait3A_113 = tpu.memref_slice %arg3[%dma_wait3A_111, %dma_wait3A_112] : memref<10000x128xf32, #tpu.memory_space<hbm>> -> memref<128x128xf32, #tpu.memory_space<hbm>>
    %dma_wait3A_114 = tpu.memref_slice %arg7[%dma_wait3A_106] : memref<4x!tpu.dma_semaphore, #tpu.memory_space<semaphore_mem>> -> memref<1x!tpu.dma_semaphore, #tpu.memory_space<semaphore_mem>>
    %dma_wait3A_115 = tpu.memref_squeeze %dma_wait3A_114 : memref<1x!tpu.dma_semaphore, #tpu.memory_space<semaphore_mem>> -> memref<!tpu.dma_semaphore, #tpu.memory_space<semaphore_mem>>
    %dma_wait3A_116 = arith.constant 0 : i32
    %dma_wait3A_117 = arith.constant 0 : i32
    %dma_wait3A_118 = tpu.memref_slice %arg6[%dma_wait3A_105, %dma_wait3A_116, %dma_wait3A_117] : memref<4x128x128xf32, #tpu.memory_space<vmem>> -> memref<1x128x128xf32, #tpu.memory_space<vmem>>
    %dma_wait3A_119 = tpu.memref_squeeze %dma_wait3A_118 : memref<1x128x128xf32, #tpu.memory_space<vmem>> -> memref<128x128xf32, #tpu.memory_space<vmem>>
    %dma_wait3A_120 = arith.constant 0 : i32
    %dma_wait3A_121 = arith.constant 0 : i32
    %dma_wait3A_122 = tpu.memref_slice %arg3[%dma_wait3A_120, %dma_wait3A_121] : memref<10000x128xf32, #tpu.memory_space<hbm>> -> memref<128x128xf32, #tpu.memory_space<hbm>>
    tpu.wait_dma2 semaphore(%dma_wait3A_115 : memref<!tpu.dma_semaphore, #tpu.memory_space<semaphore_mem>>) src(%dma_wait3A_122 : memref<128x128xf32, #tpu.memory_space<hbm>>) dst(%dma_wait3A_119 : memref<128x128xf32, #tpu.memory_space<vmem>>)
    %add3A_123 = arith.constant 77 : i32
    %add3A_124 = arith.addi %mul3A_3, %add3A_123 : i32
    %mul3A_125 = arith.constant 128 : i32
    %mul3A_126 = arith.muli %add3A_124, %mul3A_125 : i32
    %dma_start3A_127 = arith.constant 1 : i32
    %dma_start3A_128 = arith.constant 1 : i32
    %dma_start3A_129 = arith.constant 0 : i32
    %dma_start3A_130 = arith.constant 0 : i32
    %dma_start3A_131 = tpu.memref_slice %arg6[%dma_start3A_127, %dma_start3A_129, %dma_start3A_130] : memref<4x128x128xf32, #tpu.memory_space<vmem>> -> memref<1x128x128xf32, #tpu.memory_space<vmem>>
    %dma_start3A_132 = tpu.memref_squeeze %dma_start3A_131 : memref<1x128x128xf32, #tpu.memory_space<vmem>> -> memref<128x128xf32, #tpu.memory_space<vmem>>
    %dma_start3A_133 = arith.constant 0 : i32
    %dma_start3A_134 = tpu.memref_slice %arg4[%mul3A_126, %dma_start3A_133] : memref<327680x128xf32, #tpu.memory_space<hbm>> -> memref<128x128xf32, #tpu.memory_space<hbm>>
    %dma_start3A_135 = tpu.memref_slice %arg8[%dma_start3A_128] : memref<4x!tpu.dma_semaphore, #tpu.memory_space<semaphore_mem>> -> memref<1x!tpu.dma_semaphore, #tpu.memory_space<semaphore_mem>>
    %dma_start3A_136 = tpu.memref_squeeze %dma_start3A_135 : memref<1x!tpu.dma_semaphore, #tpu.memory_space<semaphore_mem>> -> memref<!tpu.dma_semaphore, #tpu.memory_space<semaphore_mem>>
    %dma_start3A_137 = arith.constant 0 : i32
    %dma_start3A_138 = tpu.memref_slice %arg4[%mul3A_126, %dma_start3A_137] : memref<327680x128xf32, #tpu.memory_space<hbm>> -> memref<128x128xf32, #tpu.memory_space<hbm>>
    %dma_start3A_139 = arith.constant 0 : i32
    %dma_start3A_140 = arith.constant 0 : i32
    %dma_start3A_141 = tpu.memref_slice %arg6[%dma_start3A_127, %dma_start3A_139, %dma_start3A_140] : memref<4x128x128xf32, #tpu.memory_space<vmem>> -> memref<1x128x128xf32, #tpu.memory_space<vmem>>
    %dma_start3A_142 = tpu.memref_squeeze %dma_start3A_141 : memref<1x128x128xf32, #tpu.memory_space<vmem>> -> memref<128x128xf32, #tpu.memory_space<vmem>>
    tpu.enqueue_dma source(%dma_start3A_142 : memref<128x128xf32, #tpu.memory_space<vmem>>) target(%dma_start3A_138 : memref<128x128xf32, #tpu.memory_space<hbm>>) target_semaphore(%dma_start3A_136 : memref<!tpu.dma_semaphore, #tpu.memory_space<semaphore_mem>>)
    %dma_wait3A_143 = arith.constant 2 : i32
    %dma_wait3A_144 = arith.constant 2 : i32
    %dma_wait3A_145 = arith.constant 0 : i32
    %dma_wait3A_146 = arith.constant 0 : i32
    %dma_wait3A_147 = tpu.memref_slice %arg6[%dma_wait3A_143, %dma_wait3A_145, %dma_wait3A_146] : memref<4x128x128xf32, #tpu.memory_space<vmem>> -> memref<1x128x128xf32, #tpu.memory_space<vmem>>
    %dma_wait3A_148 = tpu.memref_squeeze %dma_wait3A_147 : memref<1x128x128xf32, #tpu.memory_space<vmem>> -> memref<128x128xf32, #tpu.memory_space<vmem>>
    %dma_wait3A_149 = arith.constant 0 : i32
    %dma_wait3A_150 = arith.constant 0 : i32
    %dma_wait3A_151 = tpu.memref_slice %arg3[%dma_wait3A_149, %dma_wait3A_150] : memref<10000x128xf32, #tpu.memory_space<hbm>> -> memref<128x128xf32, #tpu.memory_space<hbm>>
    %dma_wait3A_152 = tpu.memref_slice %arg7[%dma_wait3A_144] : memref<4x!tpu.dma_semaphore, #tpu.memory_space<semaphore_mem>> -> memref<1x!tpu.dma_semaphore, #tpu.memory_space<semaphore_mem>>
    %dma_wait3A_153 = tpu.memref_squeeze %dma_wait3A_152 : memref<1x!tpu.dma_semaphore, #tpu.memory_space<semaphore_mem>> -> memref<!tpu.dma_semaphore, #tpu.memory_space<semaphore_mem>>
    %dma_wait3A_154 = arith.constant 0 : i32
    %dma_wait3A_155 = arith.constant 0 : i32
    %dma_wait3A_156 = tpu.memref_slice %arg6[%dma_wait3A_143, %dma_wait3A_154, %dma_wait3A_155] : memref<4x128x128xf32, #tpu.memory_space<vmem>> -> memref<1x128x128xf32, #tpu.memory_space<vmem>>
    %dma_wait3A_157 = tpu.memref_squeeze %dma_wait3A_156 : memref<1x128x128xf32, #tpu.memory_space<vmem>> -> memref<128x128xf32, #tpu.memory_space<vmem>>
    %dma_wait3A_158 = arith.constant 0 : i32
    %dma_wait3A_159 = arith.constant 0 : i32
    %dma_wait3A_160 = tpu.memref_slice %arg3[%dma_wait3A_158, %dma_wait3A_159] : memref<10000x128xf32, #tpu.memory_space<hbm>> -> memref<128x128xf32, #tpu.memory_space<hbm>>
    tpu.wait_dma2 semaphore(%dma_wait3A_153 : memref<!tpu.dma_semaphore, #tpu.memory_space<semaphore_mem>>) src(%dma_wait3A_160 : memref<128x128xf32, #tpu.memory_space<hbm>>) dst(%dma_wait3A_157 : memref<128x128xf32, #tpu.memory_space<vmem>>)
    %add3A_161 = arith.constant 78 : i32
    %add3A_162 = arith.addi %mul3A_3, %add3A_161 : i32
    %mul3A_163 = arith.constant 128 : i32
    %mul3A_164 = arith.muli %add3A_162, %mul3A_163 : i32
    %dma_start3A_165 = arith.constant 2 : i32
    %dma_start3A_166 = arith.constant 2 : i32
    %dma_start3A_167 = arith.constant 0 : i32
    %dma_start3A_168 = arith.constant 0 : i32
    %dma_start3A_169 = tpu.memref_slice %arg6[%dma_start3A_165, %dma_start3A_167, %dma_start3A_168] : memref<4x128x128xf32, #tpu.memory_space<vmem>> -> memref<1x128x128xf32, #tpu.memory_space<vmem>>
    %dma_start3A_170 = tpu.memref_squeeze %dma_start3A_169 : memref<1x128x128xf32, #tpu.memory_space<vmem>> -> memref<128x128xf32, #tpu.memory_space<vmem>>
    %dma_start3A_171 = arith.constant 0 : i32
    %dma_start3A_172 = tpu.memref_slice %arg4[%mul3A_164, %dma_start3A_171] : memref<327680x128xf32, #tpu.memory_space<hbm>> -> memref<128x128xf32, #tpu.memory_space<hbm>>
    %dma_start3A_173 = tpu.memref_slice %arg8[%dma_start3A_166] : memref<4x!tpu.dma_semaphore, #tpu.memory_space<semaphore_mem>> -> memref<1x!tpu.dma_semaphore, #tpu.memory_space<semaphore_mem>>
    %dma_start3A_174 = tpu.memref_squeeze %dma_start3A_173 : memref<1x!tpu.dma_semaphore, #tpu.memory_space<semaphore_mem>> -> memref<!tpu.dma_semaphore, #tpu.memory_space<semaphore_mem>>
    %dma_start3A_175 = arith.constant 0 : i32
    %dma_start3A_176 = tpu.memref_slice %arg4[%mul3A_164, %dma_start3A_175] : memref<327680x128xf32, #tpu.memory_space<hbm>> -> memref<128x128xf32, #tpu.memory_space<hbm>>
    %dma_start3A_177 = arith.constant 0 : i32
    %dma_start3A_178 = arith.constant 0 : i32
    %dma_start3A_179 = tpu.memref_slice %arg6[%dma_start3A_165, %dma_start3A_177, %dma_start3A_178] : memref<4x128x128xf32, #tpu.memory_space<vmem>> -> memref<1x128x128xf32, #tpu.memory_space<vmem>>
    %dma_start3A_180 = tpu.memref_squeeze %dma_start3A_179 : memref<1x128x128xf32, #tpu.memory_space<vmem>> -> memref<128x128xf32, #tpu.memory_space<vmem>>
    tpu.enqueue_dma source(%dma_start3A_180 : memref<128x128xf32, #tpu.memory_space<vmem>>) target(%dma_start3A_176 : memref<128x128xf32, #tpu.memory_space<hbm>>) target_semaphore(%dma_start3A_174 : memref<!tpu.dma_semaphore, #tpu.memory_space<semaphore_mem>>)
    %dma_wait3A_181 = arith.constant 3 : i32
    %dma_wait3A_182 = arith.constant 3 : i32
    %dma_wait3A_183 = arith.constant 0 : i32
    %dma_wait3A_184 = arith.constant 0 : i32
    %dma_wait3A_185 = tpu.memref_slice %arg6[%dma_wait3A_181, %dma_wait3A_183, %dma_wait3A_184] : memref<4x128x128xf32, #tpu.memory_space<vmem>> -> memref<1x128x128xf32, #tpu.memory_space<vmem>>
    %dma_wait3A_186 = tpu.memref_squeeze %dma_wait3A_185 : memref<1x128x128xf32, #tpu.memory_space<vmem>> -> memref<128x128xf32, #tpu.memory_space<vmem>>
    %dma_wait3A_187 = arith.constant 0 : i32
    %dma_wait3A_188 = arith.constant 0 : i32
    %dma_wait3A_189 = tpu.memref_slice %arg3[%dma_wait3A_187, %dma_wait3A_188] : memref<10000x128xf32, #tpu.memory_space<hbm>> -> memref<128x128xf32, #tpu.memory_space<hbm>>
    %dma_wait3A_190 = tpu.memref_slice %arg7[%dma_wait3A_182] : memref<4x!tpu.dma_semaphore, #tpu.memory_space<semaphore_mem>> -> memref<1x!tpu.dma_semaphore, #tpu.memory_space<semaphore_mem>>
    %dma_wait3A_191 = tpu.memref_squeeze %dma_wait3A_190 : memref<1x!tpu.dma_semaphore, #tpu.memory_space<semaphore_mem>> -> memref<!tpu.dma_semaphore, #tpu.memory_space<semaphore_mem>>
    %dma_wait3A_192 = arith.constant 0 : i32
    %dma_wait3A_193 = arith.constant 0 : i32
    %dma_wait3A_194 = tpu.memref_slice %arg6[%dma_wait3A_181, %dma_wait3A_192, %dma_wait3A_193] : memref<4x128x128xf32, #tpu.memory_space<vmem>> -> memref<1x128x128xf32, #tpu.memory_space<vmem>>
    %dma_wait3A_195 = tpu.memref_squeeze %dma_wait3A_194 : memref<1x128x128xf32, #tpu.memory_space<vmem>> -> memref<128x128xf32, #tpu.memory_space<vmem>>
    %dma_wait3A_196 = arith.constant 0 : i32
    %dma_wait3A_197 = arith.constant 0 : i32
    %dma_wait3A_198 = tpu.memref_slice %arg3[%dma_wait3A_196, %dma_wait3A_197] : memref<10000x128xf32, #tpu.memory_space<hbm>> -> memref<128x128xf32, #tpu.memory_space<hbm>>
    tpu.wait_dma2 semaphore(%dma_wait3A_191 : memref<!tpu.dma_semaphore, #tpu.memory_space<semaphore_mem>>) src(%dma_wait3A_198 : memref<128x128xf32, #tpu.memory_space<hbm>>) dst(%dma_wait3A_195 : memref<128x128xf32, #tpu.memory_space<vmem>>)
    %add3A_199 = arith.constant 79 : i32
    %add3A_200 = arith.addi %mul3A_3, %add3A_199 : i32
    %mul3A_201 = arith.constant 128 : i32
    %mul3A_202 = arith.muli %add3A_200, %mul3A_201 : i32
    %dma_start3A_203 = arith.constant 3 : i32
    %dma_start3A_204 = arith.constant 3 : i32
    %dma_start3A_205 = arith.constant 0 : i32
    %dma_start3A_206 = arith.constant 0 : i32
    %dma_start3A_207 = tpu.memref_slice %arg6[%dma_start3A_203, %dma_start3A_205, %dma_start3A_206] : memref<4x128x128xf32, #tpu.memory_space<vmem>> -> memref<1x128x128xf32, #tpu.memory_space<vmem>>
    %dma_start3A_208 = tpu.memref_squeeze %dma_start3A_207 : memref<1x128x128xf32, #tpu.memory_space<vmem>> -> memref<128x128xf32, #tpu.memory_space<vmem>>
    %dma_start3A_209 = arith.constant 0 : i32
    %dma_start3A_210 = tpu.memref_slice %arg4[%mul3A_202, %dma_start3A_209] : memref<327680x128xf32, #tpu.memory_space<hbm>> -> memref<128x128xf32, #tpu.memory_space<hbm>>
    %dma_start3A_211 = tpu.memref_slice %arg8[%dma_start3A_204] : memref<4x!tpu.dma_semaphore, #tpu.memory_space<semaphore_mem>> -> memref<1x!tpu.dma_semaphore, #tpu.memory_space<semaphore_mem>>
    %dma_start3A_212 = tpu.memref_squeeze %dma_start3A_211 : memref<1x!tpu.dma_semaphore, #tpu.memory_space<semaphore_mem>> -> memref<!tpu.dma_semaphore, #tpu.memory_space<semaphore_mem>>
    %dma_start3A_213 = arith.constant 0 : i32
    %dma_start3A_214 = tpu.memref_slice %arg4[%mul3A_202, %dma_start3A_213] : memref<327680x128xf32, #tpu.memory_space<hbm>> -> memref<128x128xf32, #tpu.memory_space<hbm>>
    %dma_start3A_215 = arith.constant 0 : i32
    %dma_start3A_216 = arith.constant 0 : i32
    %dma_start3A_217 = tpu.memref_slice %arg6[%dma_start3A_203, %dma_start3A_215, %dma_start3A_216] : memref<4x128x128xf32, #tpu.memory_space<vmem>> -> memref<1x128x128xf32, #tpu.memory_space<vmem>>
    %dma_start3A_218 = tpu.memref_squeeze %dma_start3A_217 : memref<1x128x128xf32, #tpu.memory_space<vmem>> -> memref<128x128xf32, #tpu.memory_space<vmem>>
    tpu.enqueue_dma source(%dma_start3A_218 : memref<128x128xf32, #tpu.memory_space<vmem>>) target(%dma_start3A_214 : memref<128x128xf32, #tpu.memory_space<hbm>>) target_semaphore(%dma_start3A_212 : memref<!tpu.dma_semaphore, #tpu.memory_space<semaphore_mem>>)
    %mul3A_219 = arith.constant 128 : i32
    %mul3A_220 = arith.muli %mul3A_3, %mul3A_219 : i32
    %dma_wait3A_221 = arith.constant 0 : i32
    %dma_wait3A_222 = arith.constant 0 : i32
    %dma_wait3A_223 = arith.constant 0 : i32
    %dma_wait3A_224 = arith.constant 0 : i32
    %dma_wait3A_225 = tpu.memref_slice %arg6[%dma_wait3A_221, %dma_wait3A_223, %dma_wait3A_224] : memref<4x128x128xf32, #tpu.memory_space<vmem>> -> memref<1x128x128xf32, #tpu.memory_space<vmem>>
    %dma_wait3A_226 = tpu.memref_squeeze %dma_wait3A_225 : memref<1x128x128xf32, #tpu.memory_space<vmem>> -> memref<128x128xf32, #tpu.memory_space<vmem>>
    %dma_wait3A_227 = arith.constant 0 : i32
    %dma_wait3A_228 = tpu.memref_slice %arg4[%mul3A_220, %dma_wait3A_227] : memref<327680x128xf32, #tpu.memory_space<hbm>> -> memref<128x128xf32, #tpu.memory_space<hbm>>
    %dma_wait3A_229 = tpu.memref_slice %arg8[%dma_wait3A_222] : memref<4x!tpu.dma_semaphore, #tpu.memory_space<semaphore_mem>> -> memref<1x!tpu.dma_semaphore, #tpu.memory_space<semaphore_mem>>
    %dma_wait3A_230 = tpu.memref_squeeze %dma_wait3A_229 : memref<1x!tpu.dma_semaphore, #tpu.memory_space<semaphore_mem>> -> memref<!tpu.dma_semaphore, #tpu.memory_space<semaphore_mem>>
    %dma_wait3A_231 = arith.constant 0 : i32
    %dma_wait3A_232 = tpu.memref_slice %arg4[%mul3A_220, %dma_wait3A_231] : memref<327680x128xf32, #tpu.memory_space<hbm>> -> memref<128x128xf32, #tpu.memory_space<hbm>>
    %dma_wait3A_233 = arith.constant 0 : i32
    %dma_wait3A_234 = arith.constant 0 : i32
    %dma_wait3A_235 = tpu.memref_slice %arg6[%dma_wait3A_221, %dma_wait3A_233, %dma_wait3A_234] : memref<4x128x128xf32, #tpu.memory_space<vmem>> -> memref<1x128x128xf32, #tpu.memory_space<vmem>>
    %dma_wait3A_236 = tpu.memref_squeeze %dma_wait3A_235 : memref<1x128x128xf32, #tpu.memory_space<vmem>> -> memref<128x128xf32, #tpu.memory_space<vmem>>
    tpu.wait_dma2 semaphore(%dma_wait3A_230 : memref<!tpu.dma_semaphore, #tpu.memory_space<semaphore_mem>>) src(%dma_wait3A_236 : memref<128x128xf32, #tpu.memory_space<vmem>>) dst(%dma_wait3A_232 : memref<128x128xf32, #tpu.memory_space<hbm>>)
    %mul3A_237 = arith.constant 128 : i32
    %mul3A_238 = arith.muli %mul3A_3, %mul3A_237 : i32
    %dma_wait3A_239 = arith.constant 1 : i32
    %dma_wait3A_240 = arith.constant 1 : i32
    %dma_wait3A_241 = arith.constant 0 : i32
    %dma_wait3A_242 = arith.constant 0 : i32
    %dma_wait3A_243 = tpu.memref_slice %arg6[%dma_wait3A_239, %dma_wait3A_241, %dma_wait3A_242] : memref<4x128x128xf32, #tpu.memory_space<vmem>> -> memref<1x128x128xf32, #tpu.memory_space<vmem>>
    %dma_wait3A_244 = tpu.memref_squeeze %dma_wait3A_243 : memref<1x128x128xf32, #tpu.memory_space<vmem>> -> memref<128x128xf32, #tpu.memory_space<vmem>>
    %dma_wait3A_245 = arith.constant 0 : i32
    %dma_wait3A_246 = tpu.memref_slice %arg4[%mul3A_238, %dma_wait3A_245] : memref<327680x128xf32, #tpu.memory_space<hbm>> -> memref<128x128xf32, #tpu.memory_space<hbm>>
    %dma_wait3A_247 = tpu.memref_slice %arg8[%dma_wait3A_240] : memref<4x!tpu.dma_semaphore, #tpu.memory_space<semaphore_mem>> -> memref<1x!tpu.dma_semaphore, #tpu.memory_space<semaphore_mem>>
    %dma_wait3A_248 = tpu.memref_squeeze %dma_wait3A_247 : memref<1x!tpu.dma_semaphore, #tpu.memory_space<semaphore_mem>> -> memref<!tpu.dma_semaphore, #tpu.memory_space<semaphore_mem>>
    %dma_wait3A_249 = arith.constant 0 : i32
    %dma_wait3A_250 = tpu.memref_slice %arg4[%mul3A_238, %dma_wait3A_249] : memref<327680x128xf32, #tpu.memory_space<hbm>> -> memref<128x128xf32, #tpu.memory_space<hbm>>
    %dma_wait3A_251 = arith.constant 0 : i32
    %dma_wait3A_252 = arith.constant 0 : i32
    %dma_wait3A_253 = tpu.memref_slice %arg6[%dma_wait3A_239, %dma_wait3A_251, %dma_wait3A_252] : memref<4x128x128xf32, #tpu.memory_space<vmem>> -> memref<1x128x128xf32, #tpu.memory_space<vmem>>
    %dma_wait3A_254 = tpu.memref_squeeze %dma_wait3A_253 : memref<1x128x128xf32, #tpu.memory_space<vmem>> -> memref<128x128xf32, #tpu.memory_space<vmem>>
    tpu.wait_dma2 semaphore(%dma_wait3A_248 : memref<!tpu.dma_semaphore, #tpu.memory_space<semaphore_mem>>) src(%dma_wait3A_254 : memref<128x128xf32, #tpu.memory_space<vmem>>) dst(%dma_wait3A_250 : memref<128x128xf32, #tpu.memory_space<hbm>>)
    %mul3A_255 = arith.constant 128 : i32
    %mul3A_256 = arith.muli %mul3A_3, %mul3A_255 : i32
    %dma_wait3A_257 = arith.constant 2 : i32
    %dma_wait3A_258 = arith.constant 2 : i32
    %dma_wait3A_259 = arith.constant 0 : i32
    %dma_wait3A_260 = arith.constant 0 : i32
    %dma_wait3A_261 = tpu.memref_slice %arg6[%dma_wait3A_257, %dma_wait3A_259, %dma_wait3A_260] : memref<4x128x128xf32, #tpu.memory_space<vmem>> -> memref<1x128x128xf32, #tpu.memory_space<vmem>>
    %dma_wait3A_262 = tpu.memref_squeeze %dma_wait3A_261 : memref<1x128x128xf32, #tpu.memory_space<vmem>> -> memref<128x128xf32, #tpu.memory_space<vmem>>
    %dma_wait3A_263 = arith.constant 0 : i32
    %dma_wait3A_264 = tpu.memref_slice %arg4[%mul3A_256, %dma_wait3A_263] : memref<327680x128xf32, #tpu.memory_space<hbm>> -> memref<128x128xf32, #tpu.memory_space<hbm>>
    %dma_wait3A_265 = tpu.memref_slice %arg8[%dma_wait3A_258] : memref<4x!tpu.dma_semaphore, #tpu.memory_space<semaphore_mem>> -> memref<1x!tpu.dma_semaphore, #tpu.memory_space<semaphore_mem>>
    %dma_wait3A_266 = tpu.memref_squeeze %dma_wait3A_265 : memref<1x!tpu.dma_semaphore, #tpu.memory_space<semaphore_mem>> -> memref<!tpu.dma_semaphore, #tpu.memory_space<semaphore_mem>>
    %dma_wait3A_267 = arith.constant 0 : i32
    %dma_wait3A_268 = tpu.memref_slice %arg4[%mul3A_256, %dma_wait3A_267] : memref<327680x128xf32, #tpu.memory_space<hbm>> -> memref<128x128xf32, #tpu.memory_space<hbm>>
    %dma_wait3A_269 = arith.constant 0 : i32
    %dma_wait3A_270 = arith.constant 0 : i32
    %dma_wait3A_271 = tpu.memref_slice %arg6[%dma_wait3A_257, %dma_wait3A_269, %dma_wait3A_270] : memref<4x128x128xf32, #tpu.memory_space<vmem>> -> memref<1x128x128xf32, #tpu.memory_space<vmem>>
    %dma_wait3A_272 = tpu.memref_squeeze %dma_wait3A_271 : memref<1x128x128xf32, #tpu.memory_space<vmem>> -> memref<128x128xf32, #tpu.memory_space<vmem>>
    tpu.wait_dma2 semaphore(%dma_wait3A_266 : memref<!tpu.dma_semaphore, #tpu.memory_space<semaphore_mem>>) src(%dma_wait3A_272 : memref<128x128xf32, #tpu.memory_space<vmem>>) dst(%dma_wait3A_268 : memref<128x128xf32, #tpu.memory_space<hbm>>)
    %mul3A_273 = arith.constant 128 : i32
    %mul3A_274 = arith.muli %mul3A_3, %mul3A_273 : i32
    %dma_wait3A_275 = arith.constant 3 : i32
    %dma_wait3A_276 = arith.constant 3 : i32
    %dma_wait3A_277 = arith.constant 0 : i32
    %dma_wait3A_278 = arith.constant 0 : i32
    %dma_wait3A_279 = tpu.memref_slice %arg6[%dma_wait3A_275, %dma_wait3A_277, %dma_wait3A_278] : memref<4x128x128xf32, #tpu.memory_space<vmem>> -> memref<1x128x128xf32, #tpu.memory_space<vmem>>
    %dma_wait3A_280 = tpu.memref_squeeze %dma_wait3A_279 : memref<1x128x128xf32, #tpu.memory_space<vmem>> -> memref<128x128xf32, #tpu.memory_space<vmem>>
    %dma_wait3A_281 = arith.constant 0 : i32
    %dma_wait3A_282 = tpu.memref_slice %arg4[%mul3A_274, %dma_wait3A_281] : memref<327680x128xf32, #tpu.memory_space<hbm>> -> memref<128x128xf32, #tpu.memory_space<hbm>>
    %dma_wait3A_283 = tpu.memref_slice %arg8[%dma_wait3A_276] : memref<4x!tpu.dma_semaphore, #tpu.memory_space<semaphore_mem>> -> memref<1x!tpu.dma_semaphore, #tpu.memory_space<semaphore_mem>>
    %dma_wait3A_284 = tpu.memref_squeeze %dma_wait3A_283 : memref<1x!tpu.dma_semaphore, #tpu.memory_space<semaphore_mem>> -> memref<!tpu.dma_semaphore, #tpu.memory_space<semaphore_mem>>
    %dma_wait3A_285 = arith.constant 0 : i32
    %dma_wait3A_286 = tpu.memref_slice %arg4[%mul3A_274, %dma_wait3A_285] : memref<327680x128xf32, #tpu.memory_space<hbm>> -> memref<128x128xf32, #tpu.memory_space<hbm>>
    %dma_wait3A_287 = arith.constant 0 : i32
    %dma_wait3A_288 = arith.constant 0 : i32
    %dma_wait3A_289 = tpu.memref_slice %arg6[%dma_wait3A_275, %dma_wait3A_287, %dma_wait3A_288] : memref<4x128x128xf32, #tpu.memory_space<vmem>> -> memref<1x128x128xf32, #tpu.memory_space<vmem>>
    %dma_wait3A_290 = tpu.memref_squeeze %dma_wait3A_289 : memref<1x128x128xf32, #tpu.memory_space<vmem>> -> memref<128x128xf32, #tpu.memory_space<vmem>>
    tpu.wait_dma2 semaphore(%dma_wait3A_284 : memref<!tpu.dma_semaphore, #tpu.memory_space<semaphore_mem>>) src(%dma_wait3A_290 : memref<128x128xf32, #tpu.memory_space<vmem>>) dst(%dma_wait3A_286 : memref<128x128xf32, #tpu.memory_space<hbm>>)
    return
  }
}

module attributes {stable_mosaic.version = 14 : i64} {
  func.func @_facts_body(%arg0: i32, %arg1: memref<400x128xf32, #tpu.memory_space<vmem>>, %arg2: memref<128x128xf32, #tpu.memory_space<vmem>>, %arg3: memref<1x128xf32, #tpu.memory_space<vmem>>, %arg4: memref<400x128xf32, #tpu.memory_space<vmem>>) attributes {dimension_semantics = [#tpu.dimension_semantics<arbitrary>], iteration_bounds = array<i64: 25>, scalar_prefetch = 0 : i64, scratch_operands = 0 : i64, tpu.core_type = #tpu.core_type<tc>, window_params = [{transform_indices = @transform_0, window_bounds = array<i64: 400, 128>}, {pipeline_mode = #tpu.pipeline_mode<synchronous>, transform_indices = @transform_1, window_bounds = array<i64: 128, 128>}, {pipeline_mode = #tpu.pipeline_mode<synchronous>, transform_indices = @transform_2, window_bounds = array<i64: 1, 128>}, {transform_indices = @transform_3, window_bounds = array<i64: 400, 128>}]} {
    %get3A = arith.constant 0 : index
    %get3A_0 = arith.constant 0 : index
    %get3A_1 = vector.load %arg1[%get3A, %get3A_0] : memref<400x128xf32, #tpu.memory_space<vmem>>, vector<400x128xf32>
    %get3A_2 = arith.constant 0 : index
    %get3A_3 = arith.constant 0 : index
    %get3A_4 = vector.load %arg2[%get3A_2, %get3A_3] : memref<128x128xf32, #tpu.memory_space<vmem>>, vector<128x128xf32>
    %dot_general3A = arith.constant dense<0.000000e+00> : vector<400x128xf32>
    %dot_general3A_5 = tpu.matmul %get3A_1, %get3A_4, %dot_general3A {dimension_numbers = #tpu.dot_dimension_numbers<[1], [0], [0], [1], [0, 0, 1, 1], [], []>, transpose_lhs_hint = false} : vector<400x128xf32>, vector<128x128xf32>, vector<400x128xf32> -> vector<400x128xf32>
    %get3A_6 = arith.constant 0 : index
    %get3A_7 = arith.constant 0 : index
    %get3A_8 = vector.load %arg3[%get3A_6, %get3A_7] : memref<1x128xf32, #tpu.memory_space<vmem>>, vector<1x128xf32>
    %add3A = vector.broadcast %get3A_8 : vector<1x128xf32> to vector<400x128xf32>
    %add3A_9 = arith.addf %dot_general3A_5, %add3A : vector<400x128xf32>
    %swap3A = arith.constant 0 : index
    %swap3A_10 = arith.constant 0 : index
    %swap3A_11 = vector.load %arg4[%swap3A, %swap3A_10] : memref<400x128xf32, #tpu.memory_space<vmem>>, vector<400x128xf32>
    tpu.vector_store %arg4[%swap3A, %swap3A_10], %add3A_9 {strides = array<i32>} : memref<400x128xf32, #tpu.memory_space<vmem>>, vector<400x128xf32>,
    return
  }
  func.func @transform_0(%arg0: i32) -> (i32, i32) {
    %c0_i32 = arith.constant 0 : i32
    %c0_i32_0 = arith.constant 0 : i32
    return %arg0, %c0_i32 : i32, i32
  }
  func.func @transform_1(%arg0: i32) -> (i32, i32) {
    %c0_i32 = arith.constant 0 : i32
    %c0_i32_0 = arith.constant 0 : i32
    %c0_i32_1 = arith.constant 0 : i32
    return %c0_i32, %c0_i32_0 : i32, i32
  }
  func.func @transform_2(%arg0: i32) -> (i32, i32) {
    %c0_i32 = arith.constant 0 : i32
    %c0_i32_0 = arith.constant 0 : i32
    %c0_i32_1 = arith.constant 0 : i32
    return %c0_i32, %c0_i32_0 : i32, i32
  }
  func.func @transform_3(%arg0: i32) -> (i32, i32) {
    %c0_i32 = arith.constant 0 : i32
    %c0_i32_0 = arith.constant 0 : i32
    return %arg0, %c0_i32 : i32, i32
  }
}

module attributes {stable_mosaic.version = 14 : i64} {
  func.func @_fused_body(%arg0: i32, %arg1: memref<80x32xf32, #tpu.memory_space<vmem>>, %arg2: memref<80x128xf32, #tpu.memory_space<vmem>>, %arg3: memref<2560x128xf32, #tpu.memory_space<vmem>>, %arg4: memref<2560x80xf32, #tpu.memory_space<vmem>>, %arg5: memref<2560x32xf32, #tpu.memory_space<vmem>>, %arg6: memref<1x128xf32, #tpu.memory_space<vmem>>, %arg7: memref<1x128xf32, #tpu.memory_space<vmem>>, %arg8: memref<128x128xf32, #tpu.memory_space<vmem>>, %arg9: memref<1x128xf32, #tpu.memory_space<vmem>>, %arg10: memref<128x128xf32, #tpu.memory_space<vmem>>, %arg11: memref<1x128xf32, #tpu.memory_space<vmem>>, %arg12: memref<2560x128xf32, #tpu.memory_space<vmem>>) attributes {dimension_semantics = [#tpu.dimension_semantics<arbitrary>], iteration_bounds = array<i64: 125>, scalar_prefetch = 0 : i64, scratch_operands = 0 : i64, tpu.core_type = #tpu.core_type<tc>, window_params = [{transform_indices = @transform_0, window_bounds = array<i64: 80, 32>}, {transform_indices = @transform_1, window_bounds = array<i64: 80, 128>}, {transform_indices = @transform_2, window_bounds = array<i64: 2560, 128>}, {pipeline_mode = #tpu.pipeline_mode<synchronous>, transform_indices = @transform_3, window_bounds = array<i64: 2560, 80>}, {pipeline_mode = #tpu.pipeline_mode<synchronous>, transform_indices = @transform_4, window_bounds = array<i64: 2560, 32>}, {pipeline_mode = #tpu.pipeline_mode<synchronous>, transform_indices = @transform_5, window_bounds = array<i64: 1, 128>}, {pipeline_mode = #tpu.pipeline_mode<synchronous>, transform_indices = @transform_6, window_bounds = array<i64: 1, 128>}, {pipeline_mode = #tpu.pipeline_mode<synchronous>, transform_indices = @transform_7, window_bounds = array<i64: 128, 128>}, {pipeline_mode = #tpu.pipeline_mode<synchronous>, transform_indices = @transform_8, window_bounds = array<i64: 1, 128>}, {pipeline_mode = #tpu.pipeline_mode<synchronous>, transform_indices = @transform_9, window_bounds = array<i64: 128, 128>}, {pipeline_mode = #tpu.pipeline_mode<synchronous>, transform_indices = @transform_10, window_bounds = array<i64: 1, 128>}, {transform_indices = @transform_11, window_bounds = array<i64: 2560, 128>}]} {
    %get3A = arith.constant 0 : index
    %get3A_0 = arith.constant 0 : index
    %get3A_1 = vector.load %arg4[%get3A, %get3A_0] : memref<2560x80xf32, #tpu.memory_space<vmem>>, vector<2560x80xf32>
    %get3A_2 = arith.constant 0 : index
    %get3A_3 = arith.constant 0 : index
    %get3A_4 = vector.load %arg1[%get3A_2, %get3A_3] : memref<80x32xf32, #tpu.memory_space<vmem>>, vector<80x32xf32>
    %dot_general3A = arith.constant dense<0.000000e+00> : vector<2560x32xf32>
    %dot_general3A_5 = tpu.matmul %get3A_1, %get3A_4, %dot_general3A {dimension_numbers = #tpu.dot_dimension_numbers<[1], [0], [0], [1], [0, 0, 1, 1], [], []>, transpose_lhs_hint = false} : vector<2560x80xf32>, vector<80x32xf32>, vector<2560x32xf32> -> vector<2560x32xf32>
    %get3A_6 = arith.constant 0 : index
    %get3A_7 = arith.constant 0 : index
    %get3A_8 = vector.load %arg5[%get3A_6, %get3A_7] : memref<2560x32xf32, #tpu.memory_space<vmem>>, vector<2560x32xf32>
    %mul3A = arith.mulf %dot_general3A_5, %get3A_8 : vector<2560x32xf32>
    %broadcast_in_dim3A = arith.constant 1.000000e+00 : f32
    %broadcast_in_dim3A_9 = vector.broadcast %broadcast_in_dim3A : f32 to vector<32x128xf32>
    %dot_general3A_10 = arith.constant dense<0.000000e+00> : vector<2560x128xf32>
    %dot_general3A_11 = tpu.matmul %mul3A, %broadcast_in_dim3A_9, %dot_general3A_10 {dimension_numbers = #tpu.dot_dimension_numbers<[1], [0], [0], [1], [0, 0, 1, 1], [], []>, transpose_lhs_hint = false} : vector<2560x32xf32>, vector<32x128xf32>, vector<2560x128xf32> -> vector<2560x128xf32>
    %get3A_12 = arith.constant 0 : index
    %get3A_13 = arith.constant 0 : index
    %get3A_14 = vector.load %arg6[%get3A_12, %get3A_13] : memref<1x128xf32, #tpu.memory_space<vmem>>, vector<1x128xf32>
    %mul3A_15 = vector.broadcast %get3A_14 : vector<1x128xf32> to vector<2560x128xf32>
    %mul3A_16 = arith.mulf %dot_general3A_11, %mul3A_15 : vector<2560x128xf32>
    %get3A_17 = arith.constant 0 : index
    %get3A_18 = arith.constant 0 : index
    %get3A_19 = vector.load %arg7[%get3A_17, %get3A_18] : memref<1x128xf32, #tpu.memory_space<vmem>>, vector<1x128xf32>
    %add3A = vector.broadcast %get3A_19 : vector<1x128xf32> to vector<2560x128xf32>
    %add3A_20 = arith.addf %mul3A_16, %add3A : vector<2560x128xf32>
    %custom_jvp_call3A = arith.constant 0.000000e+00 : f32
    %max3A = vector.broadcast %custom_jvp_call3A : f32 to vector<2560x128xf32>
    %max3A_21 = arith.maximumf %add3A_20, %max3A : vector<2560x128xf32>
    %sub3A = vector.broadcast %custom_jvp_call3A : f32 to vector<2560x128xf32>
    %sub3A_22 = arith.subf %add3A_20, %sub3A : vector<2560x128xf32>
    %ne3A = arith.cmpf one, %sub3A_22, %sub3A_22 : vector<2560x128xf32>
    %add3A_23 = vector.broadcast %custom_jvp_call3A : f32 to vector<2560x128xf32>
    %add3A_24 = arith.addf %add3A_20, %add3A_23 : vector<2560x128xf32>
    %abs3A = math.absf %sub3A_22 : vector<2560x128xf32>
    %neg3A = arith.constant 0.000000e+00 : f32
    %neg3A_25 = vector.broadcast %neg3A : f32 to vector<2560x128xf32>
    %neg3A_26 = arith.subf %neg3A_25, %abs3A : vector<2560x128xf32>
    %exp3A = math.exp %neg3A_26 : vector<2560x128xf32>
    %log1p3A = math.log1p %exp3A : vector<2560x128xf32>
    %add3A_27 = arith.addf %max3A_21, %log1p3A : vector<2560x128xf32>
    %select_n3A = arith.select %ne3A, %add3A_24, %add3A_27 : vector<2560x128xi1>, vector<2560x128xf32>
    %sub3A_28 = arith.constant 0.693147182 : f32
    %sub3A_29 = vector.broadcast %sub3A_28 : f32 to vector<2560x128xf32>
    %sub3A_30 = arith.subf %select_n3A, %sub3A_29 : vector<2560x128xf32>
    %get3A_31 = arith.constant 0 : index
    %get3A_32 = arith.constant 0 : index
    %get3A_33 = vector.load %arg8[%get3A_31, %get3A_32] : memref<128x128xf32, #tpu.memory_space<vmem>>, vector<128x128xf32>
    %dot_general3A_34 = arith.constant dense<0.000000e+00> : vector<2560x128xf32>
    %dot_general3A_35 = tpu.matmul %sub3A_30, %get3A_33, %dot_general3A_34 {dimension_numbers = #tpu.dot_dimension_numbers<[1], [0], [0], [1], [0, 0, 1, 1], [], []>, transpose_lhs_hint = false} : vector<2560x128xf32>, vector<128x128xf32>, vector<2560x128xf32> -> vector<2560x128xf32>
    %get3A_36 = arith.constant 0 : index
    %get3A_37 = arith.constant 0 : index
    %get3A_38 = vector.load %arg9[%get3A_36, %get3A_37] : memref<1x128xf32, #tpu.memory_space<vmem>>, vector<1x128xf32>
    %add3A_39 = vector.broadcast %get3A_38 : vector<1x128xf32> to vector<2560x128xf32>
    %add3A_40 = arith.addf %dot_general3A_35, %add3A_39 : vector<2560x128xf32>
    %get3A_41 = arith.constant 0 : index
    %get3A_42 = arith.constant 0 : index
    %get3A_43 = vector.load %arg2[%get3A_41, %get3A_42] : memref<80x128xf32, #tpu.memory_space<vmem>>, vector<80x128xf32>
    %broadcast_in_dim3A_44 = vector.shape_cast %get3A_43 : vector<80x128xf32> to vector<80x1x128xf32>
    %broadcast_in_dim3A_45 = vector.shape_cast %broadcast_in_dim3A_44 : vector<80x1x128xf32> to vector<80x1x128xf32>
    %broadcast_in_dim3A_46 = vector.broadcast %broadcast_in_dim3A_45 : vector<80x1x128xf32> to vector<80x32x128xf32>
    %reshape3A = vector.shape_cast %broadcast_in_dim3A_46 : vector<80x32x128xf32> to vector<2560x128xf32>
    %mul3A_47 = arith.mulf %reshape3A, %add3A_40 : vector<2560x128xf32>
    %get3A_48 = arith.constant 0 : index
    %get3A_49 = arith.constant 0 : index
    %get3A_50 = vector.load %arg3[%get3A_48, %get3A_49] : memref<2560x128xf32, #tpu.memory_space<vmem>>, vector<2560x128xf32>
    %mul3A_51 = arith.mulf %mul3A_47, %get3A_50 : vector<2560x128xf32>
    %get3A_52 = arith.constant 0 : index
    %get3A_53 = arith.constant 0 : index
    %get3A_54 = vector.load %arg10[%get3A_52, %get3A_53] : memref<128x128xf32, #tpu.memory_space<vmem>>, vector<128x128xf32>
    %dot_general3A_55 = arith.constant dense<0.000000e+00> : vector<2560x128xf32>
    %dot_general3A_56 = tpu.matmul %mul3A_51, %get3A_54, %dot_general3A_55 {dimension_numbers = #tpu.dot_dimension_numbers<[1], [0], [0], [1], [0, 0, 1, 1], [], []>, transpose_lhs_hint = false} : vector<2560x128xf32>, vector<128x128xf32>, vector<2560x128xf32> -> vector<2560x128xf32>
    %get3A_57 = arith.constant 0 : index
    %get3A_58 = arith.constant 0 : index
    %get3A_59 = vector.load %arg11[%get3A_57, %get3A_58] : memref<1x128xf32, #tpu.memory_space<vmem>>, vector<1x128xf32>
    %add3A_60 = vector.broadcast %get3A_59 : vector<1x128xf32> to vector<2560x128xf32>
    %add3A_61 = arith.addf %dot_general3A_56, %add3A_60 : vector<2560x128xf32>
    %swap3A = arith.constant 0 : index
    %swap3A_62 = arith.constant 0 : index
    %swap3A_63 = vector.load %arg12[%swap3A, %swap3A_62] : memref<2560x128xf32, #tpu.memory_space<vmem>>, vector<2560x128xf32>
    tpu.vector_store %arg12[%swap3A, %swap3A_62], %add3A_61 {strides = array<i32>} : memref<2560x128xf32, #tpu.memory_space<vmem>>, vector<2560x128xf32>,
    return
  }
  func.func @transform_0(%arg0: i32) -> (i32, i32) {
    %c0_i32 = arith.constant 0 : i32
    %c0_i32_0 = arith.constant 0 : i32
    return %arg0, %c0_i32 : i32, i32
  }
  func.func @transform_1(%arg0: i32) -> (i32, i32) {
    %c0_i32 = arith.constant 0 : i32
    %c0_i32_0 = arith.constant 0 : i32
    return %arg0, %c0_i32 : i32, i32
  }
  func.func @transform_2(%arg0: i32) -> (i32, i32) {
    %c0_i32 = arith.constant 0 : i32
    %c0_i32_0 = arith.constant 0 : i32
    return %arg0, %c0_i32 : i32, i32
  }
  func.func @transform_3(%arg0: i32) -> (i32, i32) {
    %c0_i32 = arith.constant 0 : i32
    %c0_i32_0 = arith.constant 0 : i32
    %c0_i32_1 = arith.constant 0 : i32
    return %c0_i32, %c0_i32_0 : i32, i32
  }
  func.func @transform_4(%arg0: i32) -> (i32, i32) {
    %c0_i32 = arith.constant 0 : i32
    %c0_i32_0 = arith.constant 0 : i32
    %c0_i32_1 = arith.constant 0 : i32
    return %c0_i32, %c0_i32_0 : i32, i32
  }
  func.func @transform_5(%arg0: i32) -> (i32, i32) {
    %c0_i32 = arith.constant 0 : i32
    %c0_i32_0 = arith.constant 0 : i32
    %c0_i32_1 = arith.constant 0 : i32
    return %c0_i32, %c0_i32_0 : i32, i32
  }
  func.func @transform_6(%arg0: i32) -> (i32, i32) {
    %c0_i32 = arith.constant 0 : i32
    %c0_i32_0 = arith.constant 0 : i32
    %c0_i32_1 = arith.constant 0 : i32
    return %c0_i32, %c0_i32_0 : i32, i32
  }
  func.func @transform_7(%arg0: i32) -> (i32, i32) {
    %c0_i32 = arith.constant 0 : i32
    %c0_i32_0 = arith.constant 0 : i32
    %c0_i32_1 = arith.constant 0 : i32
    return %c0_i32, %c0_i32_0 : i32, i32
  }
  func.func @transform_8(%arg0: i32) -> (i32, i32) {
    %c0_i32 = arith.constant 0 : i32
    %c0_i32_0 = arith.constant 0 : i32
    %c0_i32_1 = arith.constant 0 : i32
    return %c0_i32, %c0_i32_0 : i32, i32
  }
  func.func @transform_9(%arg0: i32) -> (i32, i32) {
    %c0_i32 = arith.constant 0 : i32
    %c0_i32_0 = arith.constant 0 : i32
    %c0_i32_1 = arith.constant 0 : i32
    return %c0_i32, %c0_i32_0 : i32, i32
  }
  func.func @transform_10(%arg0: i32) -> (i32, i32) {
    %c0_i32 = arith.constant 0 : i32
    %c0_i32_0 = arith.constant 0 : i32
    %c0_i32_1 = arith.constant 0 : i32
    return %c0_i32, %c0_i32_0 : i32, i32
  }
  func.func @transform_11(%arg0: i32) -> (i32, i32) {
    %c0_i32 = arith.constant 0 : i32
    %c0_i32_0 = arith.constant 0 : i32
    return %arg0, %c0_i32 : i32, i32
  }
}

</mosaic_0001>

<sc_bundles>
// kernel: kernel.5.cloned.1.call-start
scs
__scs_entry_jumppad:
0x0: {  	(pc) =	sbr.rel $0x88, $3  }
0x1: {  	(tag) =	ssettag $0x0;
	lr =	simm.s32 $0x1  }
0x2: {  	[smem:$0x3F96] =	sst lr;
	_ =	strace $0xD0000000  }
0x3: {  	_ = 	snop  }
0x4: {  	_ = 	snop  }
0x5: {  	_ = 	snop  }
0x6: {  	_ = 	snop  }
0x7: {  	_ = 	snop  }
__scs_overlays_trampoline_lowered:
0x8: {  	[smem:$0x3FA5] =	sst s0  }
0x9: {  	[smem:$0x3FA6] =	sst s1  }
0xa: {  	[smem:$0x3FA7] =	sst s2  }
0xb: {  	[smem:$0x3FA8] =	sst s3  }
0xc: {  	[smem:$0x3FA9] =	sst s4  }
0xd: {  	[smem:$0x3FAA] =	sst s5  }
0xe: {  	[smem:$0x3FAB] =	sst s6  }
0xf: {  	[smem:$0x3FAC] =	sst s7  }
0x10: {  	[smem:$0x3FAD] =	sst s8  }
0x11: {  	[smem:$0x3FAE] =	sst s9;
	s0 =	simm.s32 @!p0 $0x0  }
0x12: {  	s1 =	sld [smem:$0x3F94];
	s0 =	simm.s32 @p0 $0x1  }
0x13: {  	[smem:$0x3FAF] =	sst s0;
	s0 =	simm.s32 @!p1 $0x0  }
0x14: {  	s2 =	sld [smem:$0x3F93];
	s0 =	simm.s32 @p1 $0x1  }
0x15: {  	[smem:$0x3FB0] =	sst s0;
	s0 =	simm.s32 @!p2 $0x0  }
0x16: {  	s3 =	sld [smem:$0x3FDB];
	s0 =	simm.s32 @p2 $0x1  }
0x17: {  	s4 =	simm.s32 $0x1BF5;
	[smem:$0x3FB2] =	sst s0  }
0x18: {  	s0 =	sld [smem:$0x3F95];
	_ =	swait.ge [sflag:s4], $0x0  }
0x19: {  	s7 =	sld [smem:$0x3F96]  }
0x1a: {  	s8 =	sadd.s32 $0xFFFFE003, lr  }
0x1b: {  	s9 =	sadd.s32 $0xFFFFFEF7, lr;
	s5 =	simm.s32 $0xFFFFFFFF;
	p2 =	slt.u32 s8, $0xFFFFF086  }
0x1c: {  	p1 =	slt.u32 s9, $0xF7A;
	s5 =	simm.s32 @!p2 $0x0  }
0x1d: {  	s5 =	simm.s32 @p1 $0x1;
	p0 =	seq.s32 s7, s2  }
0x1e: {  	s7 =	smul.u32 @!p0 $0xF7A, s2;
	p2 =	seq.s32 @!p0 s5, $0x0  }
0x1f: {  	s9 =	smul.u32 $0xF7A, s1;
	s8 =	simm.s32 @!p0 $0x1BF5;
	p2 =	por !p2, p0  }
0x20: {  	[sflag:s8] =	ssyncset.s32 @!p0 $0xFFFFF086;
	s6 =	sadd.s32 @!p0 s3, s7;
	s7 =	simm.s32 @!p0 $0x108  }
0x21: {  	s3 =	sadd.s32 s3, s9;
	s6 =	sadd.s32 @!p0 $0x88, s6;
	s7 =	simm.s32 @p2 $0x1082  }
0x22: {  	[simem:s7], [sflag:s8] =	dma.local @!p0 [hbm:s6], $0xF7A  }
0x23: {  	s9 =	sor.u32 $0xD0000000, s2;
	s6 =	simm.s32 $0x108;
	_ =	swait.ge @!p0 [sflag:s8], $0x0  }
0x24: {  	s3 =	sadd.s32 $0x88, s3;
	s6 =	simm.s32 @!p1 $0x1082;
	[sflag:s4] =	ssyncset.s32 $0xFFFFF086  }
0x25: {  	[simem:s6], [sflag:s4] =	dma.local [hbm:s3], $0xF7A  }
0x26: {  	[smem:$0x3F96] =	sst s1;
	(tag) =	ssettag s2;
	_ =	strace s9  }
0x27: {  	s1 =	sld [smem:$0x3FA6]  }
0x28: {  	s2 =	sld [smem:$0x3FA7]  }
0x29: {  	s4 =	sld [smem:$0x3FA9]  }
0x2a: {  	p0 =	seq.s32 s5, $0x0;
	s5 =	sld [smem:$0x3FAA]  }
0x2b: {  	s6 =	sld [smem:$0x3FAB]  }
0x2c: {  	s7 =	sld [smem:$0x3FAC]  }
0x2d: {  	s3 =	simm.s32 $0x108;
	s8 =	sld [smem:$0x3FAD]  }
0x2e: {  	s3 =	simm.s32 @!p0 $0x1082;
	s9 =	sld [smem:$0x3FAE]  }
0x2f: {  	lr =	sadd.s32 s0, s3;
	s0 =	sld [smem:$0x3FA5]  }
0x30: {  	s3 =	sld [smem:$0x3FA8]  }
0x31: {  	[smem:$0x3FB1] =	sst s10  }
0x32: {  	s10 =	sld [smem:$0x3FAF];
	_ =	sdelay $0x3  }
0x33: {  	p0 =	seq.s32 s10, $0x1;
	s10 =	sld [smem:$0x3FB1];
	_ =	sdelay $0x3  }
0x34: {  	[smem:$0x3FB1] =	sst s10  }
0x35: {  	s10 =	sld [smem:$0x3FB0];
	_ =	sdelay $0x3  }
0x36: {  	p1 =	seq.s32 s10, $0x1;
	s10 =	sld [smem:$0x3FB1];
	_ =	sdelay $0x3  }
0x37: {  	[smem:$0x3FB1] =	sst s10  }
0x38: {  	s10 =	sld [smem:$0x3FB2]  }
0x39: {  	_ = 	snop;
	(pc) =	sbr.ind lr, $3  }
0x3a: {  	_ = 	snop  }
0x3b: {  	_ = 	snop  }
0x3c: {  	p2 =	seq.s32 s10, $0x1;
	s10 =	sld [smem:$0x3FB1]  }
0x3d: {  	_ =	shalt  }
0x3e: {  	_ =	shalt  }
0x3f: {  	_ =	shalt  }
0x40: {  	_ =	shalt  }
0x41: {  	_ =	shalt  }
0x42: {  	_ =	shalt  }
0x43: {  	_ =	shalt  }
0x44: {  	_ =	shalt  }
0x45: {  	_ =	shalt  }
0x46: {  	_ =	shalt  }
0x47: {  	_ =	shalt  }
0x48: {  	_ =	shalt  }
0x49: {  	_ =	shalt  }
0x4a: {  	_ =	shalt  }
0x4b: {  	_ =	shalt  }
0x4c: {  	_ =	shalt  }
0x4d: {  	_ =	shalt  }
0x4e: {  	_ =	shalt  }
0x4f: {  	_ =	shalt  }
0x50: {  	_ =	shalt  }
0x51: {  	_ =	shalt  }
0x52: {  	_ =	shalt  }
0x53: {  	_ =	shalt  }
0x54: {  	_ =	shalt  }
0x55: {  	_ =	shalt  }
0x56: {  	_ =	shalt  }
0x57: {  	_ =	shalt  }
0x58: {  	_ =	shalt  }
0x59: {  	_ =	shalt  }
0x5a: {  	_ =	shalt  }
0x5b: {  	_ =	shalt  }
0x5c: {  	_ =	shalt  }
0x5d: {  	_ =	shalt  }
0x5e: {  	_ =	shalt  }
0x5f: {  	_ =	shalt  }
0x60: {  	_ =	shalt  }
0x61: {  	_ =	shalt  }
0x62: {  	_ =	shalt  }
0x63: {  	_ =	shalt  }
0x64: {  	_ =	shalt  }
0x65: {  	_ =	shalt  }
0x66: {  	_ =	shalt  }
0x67: {  	_ =	shalt  }
0x68: {  	_ =	shalt  }
0x69: {  	_ =	shalt  }
0x6a: {  	_ =	shalt  }
0x6b: {  	_ =	shalt  }
0x6c: {  	_ =	shalt  }
0x6d: {  	_ =	shalt  }
0x6e: {  	_ =	shalt  }
0x6f: {  	_ =	shalt  }
0x70: {  	_ =	shalt  }
0x71: {  	_ =	shalt  }
0x72: {  	_ =	shalt  }
0x73: {  	_ =	shalt  }
0x74: {  	_ =	shalt  }
0x75: {  	_ =	shalt  }
0x76: {  	_ =	shalt  }
0x77: {  	_ =	shalt  }
0x78: {  	_ =	shalt  }
0x79: {  	_ =	shalt  }
0x7a: {  	_ =	shalt  }
0x7b: {  	_ =	shalt  }
0x7c: {  	_ =	shalt  }
0x7d: {  	_ =	shalt  }
0x7e: {  	_ =	shalt  }
0x7f: {  	_ =	shalt  }
0x80: {  	_ =	shalt  }
0x81: {  	_ =	shalt  }
0x82: {  	_ =	shalt  }
0x83: {  	_ =	shalt  }
0x84: {  	_ =	shalt  }
0x85: {  	_ =	shalt  }
0x86: {  	_ =	shalt  }
0x87: {  	_ =	shalt  }
.Lfunc_end0:
.L_simem_size_0:
called_computation_lowered:
.L_overlay_start_0:
0x88: {  	s2 =	sld [smem:$0x3FD9]  }
0x89: {  	s3 =	sld [smem:$0x3FFE];
	_ =	sdelay $0x1  }
0x8a: {  	s1 =	srdreg.scid  }
0x8b: {  	s0 =	sand.u32 $0x1, s1  }
0x8c: {  	s17 =	sshll.u32 s0, $0xA;
	s2 =	sadd.s32 s3, s2  }
0x8d: {  	s2 =	sadd.s32 s2, s17  }
0x8e: {  	[smem:$0x3FBD] =	sst s2  }
0x8f: {  	_ = 	snop  }
0x90: {  	s2 =	sld [smem:$0x3FD0];
	(tm) =	ssettm $0x1  }
0x91: {  	s18 =	sld [smem:$0x3FFB];
	_ =	sdelay $0x3  }
0x92: {  	_ =	strace s18  }
0x93: {  	s3 =	sld [smem:$0x3FFC];
	_ =	sdelay $0x3  }
0x94: {  	_ =	strace s3  }
0x95: {  	s3 =	sld [smem:$0x3FFD];
	_ =	sdelay $0x3  }
0x96: {  	_ =	strace s3  }
0x97: {  	_ =	strace $0x8FFFFFFF  }
0x98: {  	s19 =	sld [smem:$0x3FDB];
	_ =	sdelay $0x1  }
0x99: {  	s4 =	simm.s32 $_scs_section_size  }
0x9a: {  	s5 =	simm.s32 $_size__tile_overlayer_lowered;
	s6 =	simm.s32 $_tile_overlayer_lowered  }
0x9b: {  	s22 =	simm.s32 $0x1BFF;
	s21 =	sshll.u32 s6, $0x1;
	s3 =	sadd.s32 s4, s19  }
0x9c: {  	s7 =	simm.s32 $0x0;
	s20 =	sshll.u32 s5, $0x1;
	s5 =	sadd.s32 s21, s3  }
0x9d: {  	[timem:s7], [sflag:s22] =	dma.local [hbm:s5], s20  }
0x9e: {  	_ =	swait.ge [sflag:s22], s20  }
0x9f: {  	s4 =	ssub.s32 $0x0, s20;
	[sflag:s22] =	ssyncset.done $0x0  }
0xa0: {  	[sflag:s22] =	ssyncadd.s32 s4;
	_ =	sdelay $0x1  }
0xa1: {  	s23 =	simm.s32 $0x1B8B  }
0xa2: {  	_ =	swait.ge [sflag:s23], $0x1  }
0xa3: {  	[sflag:s23] =	ssyncset.done $0x0  }
0xa4: {  	s25 =	simm.s32 $0x1B8E;
	s24 =	sld [smem:$0x3FFE];
	[sflag:s23] =	ssyncadd.s32 $0xFFFFFFFF  }
0xa5: {  	s26 =	simm.s32 $execute0_lowered;
	[smem:$0x3FD2] =	sst s25  }
0xa6: {  	s5 =	sshll.u32 s26, $0x1;
	_ =	strace $0x80000046;
	[dreg:$0x1] =	wrdreg $0xFFFFFFFF  }
0xa7: {  	s28 =	simm.s32 $_size_execute0_lowered;
	s3 =	sadd.s32 s3, s5;
	[dreg:$0x0] =	wrdreg $0x0  }
0xa8: {  	s5 =	sshll.u32 s28, $0x1;
	[dreg:$0x2] =	wrdreg s3  }
0xa9: {  	[dreg:$0x3] =	wrdreg s5  }
0xaa: {  	[dreg:$0x4] =	wrdreg $0xC0  }
0xab: {  	_ =	task [dreg:s7], $0x5FFFF  }
0xac: {  	[dreg:$0x1] =	wrdreg $0xFFFFFFFF  }
0xad: {  	[dreg:$0x0] =	wrdreg $0x60  }
0xae: {  	[dreg:$0x2] =	wrdreg s24  }
0xaf: {  	[dreg:$0x3] =	wrdreg s2  }
0xb0: {  	[dreg:$0x4] =	wrdreg $0x9  }
0xb1: {  	_ =	task.clear_ibuf [dreg:s7], $0x5FFFF;
	_ =	strace $0x90000046  }
0xb2: {  	s29 =	simm.s32 $0x9;
	_ =	strace $0x80000048  }
0xb3: {  	_ =	swait.ge [sflag:s29], $0x1  }
0xb4: {  	[sflag:s29] =	ssyncadd.s32 $0xFFFFFFFF  }
0xb5: {  	_ =	strace $0x90000048  }
0xb6: {  	_ =	sfence  }
0xb7: {  	s30 =	sld [smem:$0x0];
	_ =	sdelay $0x2  }
0xb8: {  	s31 =	sshll.u32 s1, $0xD;
	s1 =	sshrl.u32 s1, $0x2  }
0xb9: {  	s3 =	sand.u32 $0x4000, s31;
	s1 =	sadd.s32 s1, s30  }
0xba: {  	s0 =	sor.u32 s3, s0;
	s1 =	sshll.u32 s1, $0x11  }
0xbb: {  	s0 =	sor.u32 s1, s0  }
0xbc: {  	s0 =	sadd.s32 $0x8F2B, s0  }
0xbd: {  	[sflag:s0] =	ssyncadd.remote.s32 $0x1  }
0xbe: {  	_ =	sfence.sel $0xFFFF  }
0xbf: {  	[dreg:$0x0] =	wrdreg $0xFFFFFFFF;
	(pc) =	sbr.abs _section_cstart, $3  }
0xc0: {  	[dreg:$0x1] =	wrdreg $0xFFFFFFFF  }
0xc1: {  	_ =	task.clear_ibuf [dreg:s7], $0x2FFFF;
	_ =	strace $0x9FFFFFFF  }
0xc2: {  	(tm) =	ssettm $0x7FFFFFFF  }
0xc3: {  	_ =	shalt  }
tec
execute0_lowered:
.L_overlay_start_1:
0x0: {  	(tag) =	ssettag $0x1  }
0x1: {  	s0 =	srdreg.scid  }
0x2: {  	s10 =	stileid.u32;
	s4 =	rddreg [dreg:$0x0]  }
0x3: {  	s2 =	rddreg [dreg:$0x1];
	s3 =	simm.s32 $0x0;
	s14 =	simm.s32 $0x9  }
0x4: {  	s15 =	simm.s32 $0x80;
	s16 =	simm.s32 $0x2800;
	s17 =	simm.s32 $0x6800  }
0x5: {  	s28 =	simm.s32 $0x6;
	s29 =	simm.s32 $0x7;
	s30 =	simm.s32 $0x8  }
0x6: {  	s0 =	sand.u32 $0x1, s0;
	s1 =	sshll.u32 s10, $0x1;
	s20 =	smul.u32 $0xA0, s10  }
0x7: {  	s1 =	ssub.s32 s1, s0;
	s7 =	ssub.s32 $0x2, s0;
	s0 =	smul.u32 $0x50, s0  }
0x8: {  	s31 =	simm.s32 $0x0;
	[smem:$0x7FF] =	sst s3;
	s5 =	smul.u32 $0x50, s1  }
0x9: {  	_ =	strace $0x80000047;
	s8 =	sshrl.u32 s7, $0x1;
	s1 =	smul.u32 $0x140000, s1  }
0xa: {  	s9 =	ssub.s32 s7, s8;
	s0 =	ssub.s32 s20, s0;
	s5 =	sadd.s32 $0x50, s5  }
0xb: {  	s18 =	sadd.s32 $0x270000, s1;
	s19 =	sadd.s32 $0x274000, s1;
	s22 =	sadd.s32 $0x278000, s1  }
0xc: {  	s1 =	sadd.s32 $0x27C000, s1;
	s23 =	sadd.s32 $0x53, s0;
	s9 =	smax.u32 s9, $0x1  }
0xd: {  	s11 =	sshll.u32 s0, $0xB;
	s0 =	sadd.s32 $0x51, s0;
	s6 =	sshll.u32 s5, $0x4  }
0xe: {  	s7 =	sshrl.u32 s19, $0x3;
	s1 =	sshrl.u32 s1, $0x3;
	s24 =	sand.u32 $0x3FFF3, s23  }
0xf: {  	s25 =	sadd.s32 $0x29000, s11;
	s0 =	sand.u32 $0x3FFF1, s0;
	s5 =	sshll.u32 s5, $0xB  }
0x10: {  	s19 =	simm.s32 $0xA800;
	s23 =	simm.s32 $0x2;
	s6 =	sadd.s32 s6, s4  }
0x11: {  	s4 =	sadd.s32 $0xC600, s4;
	s0 =	sshll.u32 s0, $0xB;
	s26 =	sand.u32 $0x1FFF8000, s5  }
0x12: {  	s6 =	sadd.s32 $0x2600, s6;
	s21 =	sadd.s32 s4, s7;
	s7 =	sshrl.u32 s22, $0x3  }
0x13: {  	s8 =	sadd.s32 s4, s1;
	s1 =	sshll.u32 s24, $0xB;
	s12 =	sadd.s32 s0, s4  }
0x14: {  	s13 =	sadd.s32 s26, s4;
	s22 =	simm.s32 $0x1;
	s24 =	simm.s32 $0x3  }
0x15: {  	s26 =	simm.s32 $0x5;
	[dreg:$0x3] =	wrdreg s6;
	s6 =	sshrl.u32 s18, $0x3  }
0x16: {  	[dreg:$0x5] =	wrdreg s21;
	s7 =	sadd.s32 s4, s7;
	s10 =	sadd.s32 s1, s4  }
0x17: {  	s1 =	sand.u32 $0x1FFF9000, s25;
	s21 =	simm.s32 $0xE800;
	s6 =	sadd.s32 s4, s6  }
0x18: {  	s25 =	simm.s32 $0x4;
	s11 =	sadd.s32 s1, s4;
	[dreg:$0x4] =	wrdreg s6  }
.LBB2_1:
0x19: {  	s0 =	rddreg [dreg:$0x3]  }
0x1a: {  	[tilespmem:s3], [sflag:$0x9] =	stream.linear.gather [hbm4b:s0+s3], $0x2800, $0x38;
	[tilespmem:$0x12800] =	vst v63  }
0x1b: {  	_ =	swait.ge [sflag:s14], $0x2800  }
0x1c: {  	[sflag:s14] =	ssyncset.done $0x0  }
0x1d: {  	[sflag:s14] =	ssyncadd.s32 $0xFFFFD800  }
0x1e: {  	[tilespmem:s16], [sflag:$0x1] =	stream.indirect.gather [hbm4b:s2+s15], $0x80, s3, s15, $0xb8;
	[tilespmem:$0x12800] =	vst v63  }
0x1f: {  	_ = 	snop  }
0x20: {  	[tilespmem:s17], [sflag:$0x2] =	stream.indirect.gather [hbm4b:s2+s15], $0x80, s15, s15, $0xb8;
	[tilespmem:$0x12800] =	vst v63  }
0x21: {  	s4 =	simm.s32 $0x100  }
0x22: {  	[tilespmem:s19], [sflag:$0x3] =	stream.indirect.gather [hbm4b:s2+s15], $0x80, s4, s15, $0xb8;
	[tilespmem:$0x12800] =	vst v63  }
0x23: {  	s5 =	simm.s32 $0x180  }
0x24: {  	[tilespmem:s21], [sflag:$0x4] =	stream.indirect.gather [hbm4b:s2+s15], $0x80, s5, s15, $0xb8;
	[tilespmem:$0x12800] =	vst v63  }
0x25: {  	_ =	swait.ge [sflag:s22], $0x4000  }
0x26: {  	[sflag:s22] =	ssyncset.done $0x0  }
0x27: {  	[sflag:s22] =	ssyncadd.s32 $0xFFFFC000  }
0x28: {  	[hbm4b:s13+s3] =	stream.linear.scatter [tilespmem:s16], [sflag:$0x5], $0x4000, $0x38;
	[tilespmem:$0x12800] =	vst v63  }
0x29: {  	_ =	swait.ge [sflag:s23], $0x4000  }
0x2a: {  	[sflag:s23] =	ssyncset.done $0x0  }
0x2b: {  	[sflag:s23] =	ssyncadd.s32 $0xFFFFC000  }
0x2c: {  	[hbm4b:s12+s3] =	stream.linear.scatter [tilespmem:s17], [sflag:$0x6], $0x4000, $0x38;
	[tilespmem:$0x12800] =	vst v63  }
0x2d: {  	_ =	swait.ge [sflag:s24], $0x4000  }
0x2e: {  	[sflag:s24] =	ssyncset.done $0x0  }
0x2f: {  	[sflag:s24] =	ssyncadd.s32 $0xFFFFC000  }
0x30: {  	[hbm4b:s11+s3] =	stream.linear.scatter [tilespmem:s19], [sflag:$0x7], $0x4000, $0x38;
	[tilespmem:$0x12800] =	vst v63  }
0x31: {  	_ =	swait.ge [sflag:s25], $0x4000  }
0x32: {  	[sflag:s25] =	ssyncset.done $0x0  }
0x33: {  	[sflag:s25] =	ssyncadd.s32 $0xFFFFC000  }
0x34: {  	[hbm4b:s10+s3] =	stream.linear.scatter [tilespmem:s21], [sflag:$0x8], $0x4000, $0x38;
	[tilespmem:$0x12800] =	vst v63  }
0x35: {  	_ =	swait.ge [sflag:s26], $0x4000  }
0x36: {  	[sflag:s26] =	ssyncset.done $0x0  }
0x37: {  	s6 =	simm.s32 $0x200;
	[sflag:s26] =	ssyncadd.s32 $0xFFFFC000  }
0x38: {  	[tilespmem:s16], [sflag:$0x1] =	stream.indirect.gather [hbm4b:s2+s15], $0x80, s6, s15, $0xb8;
	[tilespmem:$0x12800] =	vst v63  }
0x39: {  	_ =	swait.ge [sflag:s28], $0x4000  }
0x3a: {  	[sflag:s28] =	ssyncset.done $0x0  }
0x3b: {  	s18 =	simm.s32 $0x280;
	[sflag:s28] =	ssyncadd.s32 $0xFFFFC000  }
0x3c: {  	[tilespmem:s17], [sflag:$0x2] =	stream.indirect.gather [hbm4b:s2+s15], $0x80, s18, s15, $0xb8;
	[tilespmem:$0x12800] =	vst v63  }
0x3d: {  	_ =	swait.ge [sflag:s29], $0x4000  }
0x3e: {  	[sflag:s29] =	ssyncset.done $0x0  }
0x3f: {  	s20 =	simm.s32 $0x300;
	[sflag:s29] =	ssyncadd.s32 $0xFFFFC000  }
0x40: {  	[tilespmem:s19], [sflag:$0x3] =	stream.indirect.gather [hbm4b:s2+s15], $0x80, s20, s15, $0xb8;
	[tilespmem:$0x12800] =	vst v63  }
0x41: {  	s1 =	simm.s32 $0x800;
	s0 =	sadd.s32 $0x2000, s13;
	_ =	swait.ge [sflag:s30], $0x4000  }
0x42: {  	s4 =	sadd.s32 $0x2000, s10;
	s5 =	simm.s32 $0x380;
	[sflag:s30] =	ssyncset.done $0x0  }
0x43: {  	s18 =	sadd.s32 $0x2000, s11;
	s20 =	sadd.s32 $0x2000, s12;
	[sflag:s30] =	ssyncadd.s32 $0xFFFFC000  }
.LBB2_2:
0x44: {  	[tilespmem:s21], [sflag:$0x4] =	stream.indirect.gather [hbm4b:s2+s15], $0x80, s5, s15, $0xb8;
	[tilespmem:$0x12800] =	vst v63  }
0x45: {  	s5 =	smov.u32 s1  }
0x46: {  	p0 =	sne.s32 s1, $0x9000;
	s1 =	sadd.s32 $0x800, s1;
	_ =	swait.ge [sflag:s22], $0x4000  }
0x47: {  	[sflag:s22] =	ssyncset.done $0x0  }
0x48: {  	[sflag:s22] =	ssyncadd.s32 $0xFFFFC000  }
0x49: {  	[hbm4b:s0+s3] =	stream.linear.scatter [tilespmem:s16], [sflag:$0x5], $0x4000, $0x38;
	[tilespmem:$0x12800] =	vst v63  }
0x4a: {  	_ =	swait.ge [sflag:s23], $0x4000  }
0x4b: {  	[sflag:s23] =	ssyncset.done $0x0  }
0x4c: {  	[sflag:s23] =	ssyncadd.s32 $0xFFFFC000  }
0x4d: {  	[hbm4b:s20+s3] =	stream.linear.scatter [tilespmem:s17], [sflag:$0x6], $0x4000, $0x38;
	[tilespmem:$0x12800] =	vst v63  }
0x4e: {  	_ =	swait.ge [sflag:s24], $0x4000  }
0x4f: {  	[sflag:s24] =	ssyncset.done $0x0  }
0x50: {  	[sflag:s24] =	ssyncadd.s32 $0xFFFFC000  }
0x51: {  	[hbm4b:s18+s3] =	stream.linear.scatter [tilespmem:s19], [sflag:$0x7], $0x4000, $0x38;
	[tilespmem:$0x12800] =	vst v63  }
0x52: {  	_ =	swait.ge [sflag:s25], $0x4000  }
0x53: {  	[sflag:s25] =	ssyncset.done $0x0  }
0x54: {  	[sflag:s25] =	ssyncadd.s32 $0xFFFFC000  }
0x55: {  	[hbm4b:s4+s3] =	stream.linear.scatter [tilespmem:s21], [sflag:$0x8], $0x4000, $0x38;
	[tilespmem:$0x12800] =	vst v63  }
0x56: {  	_ =	swait.ge [sflag:s26], $0x4000  }
0x57: {  	s5 =	sshra.s32 s5, $0x2;
	[sflag:s26] =	ssyncset.done $0x0  }
0x58: {  	s6 =	sadd.s32 $0x200, s5;
	[sflag:s26] =	ssyncadd.s32 $0xFFFFC000  }
0x59: {  	[tilespmem:s16], [sflag:$0x1] =	stream.indirect.gather [hbm4b:s2+s15], $0x80, s6, s15, $0xb8;
	[tilespmem:$0x12800] =	vst v63  }
0x5a: {  	_ =	swait.ge [sflag:s28], $0x4000  }
0x5b: {  	[sflag:s28] =	ssyncset.done $0x0  }
0x5c: {  	s6 =	sadd.s32 $0x280, s5;
	[sflag:s28] =	ssyncadd.s32 $0xFFFFC000  }
0x5d: {  	[tilespmem:s17], [sflag:$0x2] =	stream.indirect.gather [hbm4b:s2+s15], $0x80, s6, s15, $0xb8;
	[tilespmem:$0x12800] =	vst v63  }
0x5e: {  	_ =	swait.ge [sflag:s29], $0x4000  }
0x5f: {  	[sflag:s29] =	ssyncset.done $0x0  }
.Ltmp0:
0x60: {  	s6 =	sadd.s32 $0x300, s5;
	[sflag:s29] =	ssyncadd.s32 $0xFFFFC000;
	(pc) =	sbr.rel @p0 .LBB2_2-.Ltmp0, $4  }
0x61: {  	[tilespmem:s19], [sflag:$0x3] =	stream.indirect.gather [hbm4b:s2+s15], $0x80, s6, s15, $0xb8;
	[tilespmem:$0x12800] =	vst v63  }
0x62: {  	s0 =	sadd.s32 $0x2000, s0;
	_ =	swait.ge [sflag:s30], $0x4000  }
0x63: {  	s20 =	sadd.s32 $0x2000, s20;
	s18 =	sadd.s32 $0x2000, s18;
	[sflag:s30] =	ssyncset.done $0x0  }
0x64: {  	s4 =	sadd.s32 $0x2000, s4;
	s5 =	sadd.s32 $0x380, s5;
	[sflag:s30] =	ssyncadd.s32 $0xFFFFC000  }
0x65: {  	[tilespmem:s21], [sflag:$0x4] =	stream.indirect.gather [hbm4b:s2+s15], $0x80, s5, s15, $0xb8;
	[tilespmem:$0x12800] =	vst v63  }
0x66: {  	_ =	swait.ge [sflag:s22], $0x4000  }
0x67: {  	[sflag:s22] =	ssyncset.done $0x0  }
0x68: {  	s0 =	rddreg [dreg:$0x4];
	[sflag:s22] =	ssyncadd.s32 $0xFFFFC000  }
0x69: {  	[hbm4b:s0+s3] =	stream.linear.scatter [tilespmem:s16], [sflag:$0x5], $0x4000, $0x38;
	[tilespmem:$0x12800] =	vst v63  }
0x6a: {  	_ =	swait.ge [sflag:s23], $0x4000  }
0x6b: {  	[sflag:s23] =	ssyncset.done $0x0  }
0x6c: {  	s20 =	rddreg [dreg:$0x5];
	[sflag:s23] =	ssyncadd.s32 $0xFFFFC000  }
0x6d: {  	[hbm4b:s20+s3] =	stream.linear.scatter [tilespmem:s17], [sflag:$0x6], $0x4000, $0x38;
	[tilespmem:$0x12800] =	vst v63  }
0x6e: {  	_ =	swait.ge [sflag:s24], $0x4000  }
0x6f: {  	[sflag:s24] =	ssyncset.done $0x0  }
0x70: {  	[sflag:s24] =	ssyncadd.s32 $0xFFFFC000  }
0x71: {  	[hbm4b:s7+s3] =	stream.linear.scatter [tilespmem:s19], [sflag:$0x7], $0x4000, $0x38;
	[tilespmem:$0x12800] =	vst v63  }
0x72: {  	_ =	swait.ge [sflag:s25], $0x4000  }
0x73: {  	[sflag:s25] =	ssyncset.done $0x0  }
0x74: {  	[sflag:s25] =	ssyncadd.s32 $0xFFFFC000  }
0x75: {  	[hbm4b:s8+s3] =	stream.linear.scatter [tilespmem:s21], [sflag:$0x8], $0x4000, $0x38;
	[tilespmem:$0x12800] =	vst v63  }
0x76: {  	_ =	swait.ge [sflag:s26], $0x4000  }
0x77: {  	[sflag:s26] =	ssyncset.done $0x0  }
0x78: {  	[sflag:s26] =	ssyncadd.s32 $0xFFFFC000  }
0x79: {  	_ =	swait.ge [sflag:s28], $0x4000  }
0x7a: {  	[sflag:s28] =	ssyncset.done $0x0  }
0x7b: {  	s31 =	sadd.s32 $0x1, s31;
	[sflag:s28] =	ssyncadd.s32 $0xFFFFC000  }
0x7c: {  	p0 =	sne.s32 s31, s9;
	_ =	swait.ge [sflag:s29], $0x4000  }
.Ltmp1:
0x7d: {  	[sflag:s29] =	ssyncset.done $0x0;
	(pc) =	sbr.rel @p0 .LBB2_1-.Ltmp1, $4  }
0x7e: {  	[sflag:s29] =	ssyncadd.s32 $0xFFFFC000  }
0x7f: {  	_ =	swait.ge [sflag:s30], $0x4000  }
0x80: {  	[sflag:s30] =	ssyncset.done $0x0  }
0x81: {  	[sflag:s30] =	ssyncadd.s32 $0xFFFFC000  }
0x82: {  	_ =	sfence.sel $0x180000  }
0x83: {  	[bflag:$0x0] =	sbarrier.arrive $0xFFFF  }
0x84: {  	_ =	strace $0x90000047  }
0x85: {  	s0 =	stileid.u32;
	[bflag:$0x2] =	sbarrier.arrive $0xFFFF  }
0x86: {  	p0 =	sne.s32 s0, $0x0;
	s0 =	rddreg [dreg:$0x2]  }
0x87: {  	s0 =	sadd.s32 @!p0 $0x100000, s0  }
0x88: {  	[sflag:s0] =	ssyncadd.tile.s32 @!p0 $0x1;
	_ =	shalt  }
.Lfunc_end2:
_tile_overlayer_lowered:
.L_overlay_start_2:
0x89: {  	(tag) =	ssettag $0x2  }
0x8a: {  	s0 =	rddreg [dreg:$0x0];
	s2 =	stileid.u32  }
0x8b: {  	s1 =	rddreg [dreg:$0x1];
	p0 =	sne.s32 s2, $0x0  }
0x8c: {  	s3 =	rddreg [dreg:$0x2];
	[bflag:$0x3] =	sbarrier.arrive $0xFFFF;
	s2 =	simm.s32 @!p0 $0x1C09  }
0x8d: {  	[timem:s3], [sflag:s2] =	dma.local @!p0 [hbm:s0], s1  }
0x8e: {  	s0 =	simm.s32 @!p0 $0x9  }
0x8f: {  	_ =	swait.ge @!p0 [sflag:s0], s1  }
0x90: {  	s1 =	ssub.s32 @!p0 $0x0, s1;
	[sflag:s0] =	ssyncset.done @!p0 $0x0  }
0x91: {  	[sflag:s0] =	ssyncadd.s32 @!p0 s1  }
0x92: {  	[bflag:$0x3] =	sbarrier.arrive $0xFFFF  }
0x93: {  	_ =	shalt  }

</sc_bundles>
